<compile_context>
chip_gen: v7x
topology: tpu7x:2x2x1
jax: 0.10.2.dev20260603
libtpu: 0.0.44.dev20260713+nightly
codegen_flags: <defaults>
</compile_context>

<pallas_src>
import functools

import jax
import jax.numpy as jnp
from jax import lax
from jax.experimental import pallas as pl
from jax.experimental.pallas import tpu as pltpu
from jax.experimental.pallas import tpu_sc as plsc

NUM_EMB = 1_000_000
DIM = 32
BATCH = 16384
SEQ = 50
NC, NS = 2, 16
NW = NC * NS
ROWS_PER_W = BATCH // NW
BB = 16
NCHUNKS = ROWS_PER_W // BB
assert ROWS_PER_W % BB == 0 and NCHUNKS >= 2


def _emb_body(ids_hbm, table_hbm, out_hbm, idx_v, rows_v, sem_idx, sem_g, sem_out):
    wid = lax.axis_index("s") * NC + lax.axis_index("c")
    base = wid * ROWS_PER_W

    def idx_copy(c, b):
        return pltpu.make_async_copy(
            ids_hbm.at[pl.ds(base + c * BB, BB), :], idx_v.at[b], sem_idx
        )

    def out_copy(c, b):
        return pltpu.make_async_copy(
            rows_v.at[b], out_hbm.at[pl.ds(base + c * BB, BB), :, :], sem_out
        )

    idx_copy(0, 0).start()

    @pl.loop(0, NCHUNKS)
    def _chunk(c):
        b = lax.rem(c, 2)
        idx_copy(c, b).wait()
        @pl.when(c >= 2)
        def _():
            out_copy(c - 2, b).wait()

        gathers = [
            pltpu.make_async_copy(
                table_hbm.at[idx_v.at[b].at[i]],
                rows_v.at[b].at[i],
                sem_g,
            )
            for i in range(BB)
        ]
        for g in gathers:
            g.start()

        @pl.when(c + 1 < NCHUNKS)
        def _():
            idx_copy(c + 1, 1 - b).start()

        for g in gathers:
            g.wait()
        out_copy(c, b).start()

    out_copy(NCHUNKS - 2, (NCHUNKS - 2) % 2).wait()
    out_copy(NCHUNKS - 1, (NCHUNKS - 1) % 2).wait()


_emb_call = functools.partial(
    pl.kernel,
    out_type=jax.ShapeDtypeStruct((BATCH, SEQ, DIM), jnp.float32),
    mesh=plsc.VectorSubcoreMesh(
        core_axis_name="c", subcore_axis_name="s", num_cores=NC, num_subcores=NS
    ),
    scratch_types=[
        pltpu.VMEM((2, BB, SEQ), jnp.int32),
        pltpu.VMEM((2, BB, SEQ, DIM), jnp.float32),
        pltpu.SemaphoreType.DMA,
        pltpu.SemaphoreType.DMA,
        pltpu.SemaphoreType.DMA,
    ],
    compiler_params=pltpu.CompilerParams(use_tc_tiling_on_sc=False),
)(_emb_body)


@jax.jit
def kernel(ids, table):
    return _emb_call(ids.astype(jnp.int32), table)

# --- scband reference (transcript-rebuilt; emitter-appended) ---
"""Pipeline reference for scband-embedding-layer-66340064854554 (READ-ONLY COPY).

The authoritative reference and input builder live on the scoring server;
editing this copy changes nothing except your own understanding.
"""

import jax, jax.numpy as jnp
import numpy as np

NUM_EMBEDDINGS = 1000000
EMBEDDING_DIM = 32

def setup_inputs(seed: int = 0) -> dict:
    key = jax.random.key(seed)
    k_ids, k_tab = jax.random.split(key)
    ids = jax.random.randint(k_ids, (16384, 50), 0, NUM_EMBEDDINGS, dtype=jnp.int64 if jax.config.jax_enable_x64 else jnp.int32)
    table = jax.random.normal(k_tab, (NUM_EMBEDDINGS, EMBEDDING_DIM), dtype=jnp.float32)
    return {"ids": ids, "table": table}

def reference(ids, table):
    # nn.Embedding forward: row gather from table
    return jnp.take(table, ids, axis=0)

if __name__ == "__main__":
    import jax
    _d = setup_inputs()
    print(jax.jit(kernel)(*tuple(_d.values())))

</pallas_src>

<mosaic_0001>
#map = affine_map<(d0, d1) -> (0, 0)>
#map1 = affine_map<(d0, d1) -> (0, 0, 0)>
module attributes {stable_mosaic.version = 14 : i64} {
  func.func @_emb_body(%arg0: i32, %arg1: i32, %arg2: memref<16384x50xi32, #tpu.memory_space<hbm>>, %arg3: memref<1000000x32xf32, #tpu.memory_space<hbm>>, %arg4: memref<16384x50x32xf32, #tpu.memory_space<hbm>>, %arg5: memref<2x16x50xi32, #tpu.memory_space<vmem>>, %arg6: memref<2x16x50x32xf32, #tpu.memory_space<vmem>>, %arg7: memref<!tpu.dma_semaphore, #tpu.memory_space<semaphore_mem>>, %arg8: memref<!tpu.dma_semaphore, #tpu.memory_space<semaphore_mem>>, %arg9: memref<!tpu.dma_semaphore, #tpu.memory_space<semaphore_mem>>) attributes {dimension_semantics = [#tpu.dimension_semantics<core_parallel>, #tpu.dimension_semantics<subcore_parallel>], iteration_bounds = array<i64: 2, 16>, scalar_prefetch = 0 : i64, scratch_operands = 5 : i64, tpu.core_type = #tpu.core_type<sc_vector_subcore>, window_params = [{transform_indices = #map}, {transform_indices = #map}, {transform_indices = #map1}]} {
    %mul3A = arith.constant 2 : i32
    %mul3A_0 = arith.muli %arg1, %mul3A : i32
    %add3A = arith.addi %mul3A_0, %arg0 : i32
    %mul3A_1 = arith.constant 512 : i32
    %mul3A_2 = arith.muli %add3A, %mul3A_1 : i32
    %add3A_3 = arith.constant 0 : i32
    %add3A_4 = arith.addi %mul3A_2, %add3A_3 : i32
    %dma_start3A = arith.constant 0 : i32
    %dma_start3A_5 = arith.constant 0 : i32
    %dma_start3A_6 = arith.constant 0 : i32
    %dma_start3A_7 = tpu.memref_slice %arg5[%dma_start3A, %dma_start3A_5, %dma_start3A_6] : memref<2x16x50xi32, #tpu.memory_space<vmem>> -> memref<1x16x50xi32, #tpu.memory_space<vmem>>
    %dma_start3A_8 = tpu.memref_squeeze %dma_start3A_7 : memref<1x16x50xi32, #tpu.memory_space<vmem>> -> memref<16x50xi32, #tpu.memory_space<vmem>>
    %dma_start3A_9 = arith.constant 0 : i32
    %dma_start3A_10 = tpu.memref_slice %arg2[%add3A_4, %dma_start3A_9] : memref<16384x50xi32, #tpu.memory_space<hbm>> -> memref<16x50xi32, #tpu.memory_space<hbm>>
    %dma_start3A_11 = arith.constant 0 : i32
    %dma_start3A_12 = arith.constant 0 : i32
    %dma_start3A_13 = tpu.memref_slice %arg5[%dma_start3A, %dma_start3A_11, %dma_start3A_12] : memref<2x16x50xi32, #tpu.memory_space<vmem>> -> memref<1x16x50xi32, #tpu.memory_space<vmem>>
    %dma_start3A_14 = tpu.memref_squeeze %dma_start3A_13 : memref<1x16x50xi32, #tpu.memory_space<vmem>> -> memref<16x50xi32, #tpu.memory_space<vmem>>
    %dma_start3A_15 = arith.constant 0 : i32
    %dma_start3A_16 = tpu.memref_slice %arg2[%add3A_4, %dma_start3A_15] : memref<16384x50xi32, #tpu.memory_space<hbm>> -> memref<16x50xi32, #tpu.memory_space<hbm>>
    tpu.enqueue_dma source(%dma_start3A_16 : memref<16x50xi32, #tpu.memory_space<hbm>>) target(%dma_start3A_14 : memref<16x50xi32, #tpu.memory_space<vmem>>) target_semaphore(%arg7 : memref<!tpu.dma_semaphore, #tpu.memory_space<semaphore_mem>>)
    %scan3A = arith.constant 0 : i32
    %scan3A_17 = arith.constant 32 : i32
    %scan3A_18 = arith.addi %scan3A, %scan3A_17 : i32
    %scan3A_19 = arith.constant 1 : i32
    scf.for %scan3A_58 = %scan3A to %scan3A_18 step %scan3A_19  : i32 {
      %mul3A_59 = arith.constant 1 : i32
      %mul3A_60 = arith.muli %scan3A_58, %mul3A_59 : i32
      %add3A_61 = arith.constant 0 : i32
      %add3A_62 = arith.addi %add3A_61, %mul3A_60 : i32
      %rem3A = arith.constant 2 : i32
      %rem3A_63 = arith.remsi %add3A_62, %rem3A : i32
      %mul3A_64 = arith.constant 16 : i32
      %mul3A_65 = arith.muli %add3A_62, %mul3A_64 : i32
      %add3A_66 = arith.addi %mul3A_2, %mul3A_65 : i32
      %dma_wait3A_67 = arith.constant 0 : i32
      %dma_wait3A_68 = arith.constant 0 : i32
      %dma_wait3A_69 = tpu.memref_slice %arg5[%rem3A_63, %dma_wait3A_67, %dma_wait3A_68] : memref<2x16x50xi32, #tpu.memory_space<vmem>> -> memref<1x16x50xi32, #tpu.memory_space<vmem>>
      %dma_wait3A_70 = tpu.memref_squeeze %dma_wait3A_69 : memref<1x16x50xi32, #tpu.memory_space<vmem>> -> memref<16x50xi32, #tpu.memory_space<vmem>>
      %dma_wait3A_71 = arith.constant 0 : i32
      %dma_wait3A_72 = tpu.memref_slice %arg2[%add3A_66, %dma_wait3A_71] : memref<16384x50xi32, #tpu.memory_space<hbm>> -> memref<16x50xi32, #tpu.memory_space<hbm>>
      %dma_wait3A_73 = arith.constant 0 : i32
      %dma_wait3A_74 = arith.constant 0 : i32
      %dma_wait3A_75 = tpu.memref_slice %arg5[%rem3A_63, %dma_wait3A_73, %dma_wait3A_74] : memref<2x16x50xi32, #tpu.memory_space<vmem>> -> memref<1x16x50xi32, #tpu.memory_space<vmem>>
      %dma_wait3A_76 = tpu.memref_squeeze %dma_wait3A_75 : memref<1x16x50xi32, #tpu.memory_space<vmem>> -> memref<16x50xi32, #tpu.memory_space<vmem>>
      %dma_wait3A_77 = arith.constant 0 : i32
      %dma_wait3A_78 = tpu.memref_slice %arg2[%add3A_66, %dma_wait3A_77] : memref<16384x50xi32, #tpu.memory_space<hbm>> -> memref<16x50xi32, #tpu.memory_space<hbm>>
      tpu.wait_dma2 semaphore(%arg7 : memref<!tpu.dma_semaphore, #tpu.memory_space<semaphore_mem>>) src(%dma_wait3A_78 : memref<16x50xi32, #tpu.memory_space<hbm>>) dst(%dma_wait3A_76 : memref<16x50xi32, #tpu.memory_space<vmem>>)
      %ge3A = arith.constant 2 : i32
      %ge3A_79 = arith.cmpi sge, %add3A_62, %ge3A : i32
      %convert_element_type3A = arith.extui %ge3A_79 : i1 to i32
      %cond3A = arith.constant 0 : i32
      %cond3A_80 = arith.cmpi ne, %convert_element_type3A, %cond3A : i32
      scf.if %cond3A_80 {
        %sub3A = arith.constant 2 : i32
        %sub3A_778 = arith.subi %add3A_62, %sub3A : i32
        %mul3A_779 = arith.constant 16 : i32
        %mul3A_780 = arith.muli %sub3A_778, %mul3A_779 : i32
        %add3A_781 = arith.addi %mul3A_2, %mul3A_780 : i32
        %dma_wait3A_782 = arith.constant 0 : i32
        %dma_wait3A_783 = arith.constant 0 : i32
        %dma_wait3A_784 = arith.constant 0 : i32
        %dma_wait3A_785 = tpu.memref_slice %arg6[%rem3A_63, %dma_wait3A_782, %dma_wait3A_783, %dma_wait3A_784] : memref<2x16x50x32xf32, #tpu.memory_space<vmem>> -> memref<1x16x50x32xf32, #tpu.memory_space<vmem>>
        %dma_wait3A_786 = tpu.memref_squeeze %dma_wait3A_785 : memref<1x16x50x32xf32, #tpu.memory_space<vmem>> -> memref<16x50x32xf32, #tpu.memory_space<vmem>>
        %dma_wait3A_787 = arith.constant 0 : i32
        %dma_wait3A_788 = arith.constant 0 : i32
        %dma_wait3A_789 = tpu.memref_slice %arg4[%add3A_781, %dma_wait3A_787, %dma_wait3A_788] : memref<16384x50x32xf32, #tpu.memory_space<hbm>> -> memref<16x50x32xf32, #tpu.memory_space<hbm>>
        %dma_wait3A_790 = arith.constant 0 : i32
        %dma_wait3A_791 = arith.constant 0 : i32
        %dma_wait3A_792 = tpu.memref_slice %arg4[%add3A_781, %dma_wait3A_790, %dma_wait3A_791] : memref<16384x50x32xf32, #tpu.memory_space<hbm>> -> memref<16x50x32xf32, #tpu.memory_space<hbm>>
        %dma_wait3A_793 = arith.constant 0 : i32
        %dma_wait3A_794 = arith.constant 0 : i32
        %dma_wait3A_795 = arith.constant 0 : i32
        %dma_wait3A_796 = tpu.memref_slice %arg6[%rem3A_63, %dma_wait3A_793, %dma_wait3A_794, %dma_wait3A_795] : memref<2x16x50x32xf32, #tpu.memory_space<vmem>> -> memref<1x16x50x32xf32, #tpu.memory_space<vmem>>
        %dma_wait3A_797 = tpu.memref_squeeze %dma_wait3A_796 : memref<1x16x50x32xf32, #tpu.memory_space<vmem>> -> memref<16x50x32xf32, #tpu.memory_space<vmem>>
        tpu.wait_dma2 semaphore(%arg9 : memref<!tpu.dma_semaphore, #tpu.memory_space<semaphore_mem>>) src(%dma_wait3A_797 : memref<16x50x32xf32, #tpu.memory_space<vmem>>) dst(%dma_wait3A_792 : memref<16x50x32xf32, #tpu.memory_space<hbm>>)
      } else {
      }
      %dma_start3A_81 = arith.constant 0 : i32
      %dma_start3A_82 = arith.constant 0 : i32
      %dma_start3A_83 = arith.constant 0 : i32
      %dma_start3A_84 = arith.constant 0 : i32
      %dma_start3A_85 = arith.constant 0 : i32
      %dma_start3A_86 = tpu.memref_slice %arg6[%rem3A_63, %dma_start3A_83, %dma_start3A_84, %dma_start3A_85] : memref<2x16x50x32xf32, #tpu.memory_space<vmem>> -> memref<1x16x50x32xf32, #tpu.memory_space<vmem>>
      %dma_start3A_87 = tpu.memref_squeeze %dma_start3A_86 : memref<1x16x50x32xf32, #tpu.memory_space<vmem>> -> memref<16x50x32xf32, #tpu.memory_space<vmem>>
      %dma_start3A_88 = arith.constant 0 : i32
      %dma_start3A_89 = arith.constant 0 : i32
      %dma_start3A_90 = tpu.memref_slice %dma_start3A_87[%dma_start3A_82, %dma_start3A_88, %dma_start3A_89] : memref<16x50x32xf32, #tpu.memory_space<vmem>> -> memref<1x50x32xf32, #tpu.memory_space<vmem>>
      %dma_start3A_91 = tpu.memref_squeeze %dma_start3A_90 : memref<1x50x32xf32, #tpu.memory_space<vmem>> -> memref<50x32xf32, #tpu.memory_space<vmem>>
      %dma_start3A_92 = arith.constant 0 : i32
      %dma_start3A_93 = arith.constant 0 : i32
      %dma_start3A_94 = tpu.memref_slice %arg5[%rem3A_63, %dma_start3A_92, %dma_start3A_93] : memref<2x16x50xi32, #tpu.memory_space<vmem>> -> memref<1x16x50xi32, #tpu.memory_space<vmem>>
      %dma_start3A_95 = tpu.memref_squeeze %dma_start3A_94 : memref<1x16x50xi32, #tpu.memory_space<vmem>> -> memref<16x50xi32, #tpu.memory_space<vmem>>
      %dma_start3A_96 = arith.constant 0 : i32
      %dma_start3A_97 = tpu.memref_slice %dma_start3A_95[%dma_start3A_81, %dma_start3A_96] : memref<16x50xi32, #tpu.memory_space<vmem>> -> memref<1x50xi32, #tpu.memory_space<vmem>>
      %dma_start3A_98 = tpu.memref_squeeze %dma_start3A_97 : memref<1x50xi32, #tpu.memory_space<vmem>> -> memref<50xi32, #tpu.memory_space<vmem>>
      %dma_start3A_99 = arith.constant 0 : i32
      %dma_start3A_100 = arith.constant 0 : i32
      %dma_start3A_101 = tpu.memref_slice %arg3[%dma_start3A_99, %dma_start3A_100] : memref<1000000x32xf32, #tpu.memory_space<hbm>> -> memref<1000000x32xf32, #tpu.memory_space<hbm>>
      tpu.enqueue_indirect_dma source(%dma_start3A_101 : memref<1000000x32xf32, #tpu.memory_space<hbm>>) target(%dma_start3A_91 : memref<50x32xf32, #tpu.memory_space<vmem>>) offsets(%dma_start3A_98 : memref<50xi32, #tpu.memory_space<vmem>>) semaphore(%arg8 : memref<!tpu.dma_semaphore, #tpu.memory_space<semaphore_mem>>)
      %dma_start3A_102 = arith.constant 1 : i32
      %dma_start3A_103 = arith.constant 1 : i32
      %dma_start3A_104 = arith.constant 0 : i32
      %dma_start3A_105 = arith.constant 0 : i32
      %dma_start3A_106 = arith.constant 0 : i32
      %dma_start3A_107 = tpu.memref_slice %arg6[%rem3A_63, %dma_start3A_104, %dma_start3A_105, %dma_start3A_106] : memref<2x16x50x32xf32, #tpu.memory_space<vmem>> -> memref<1x16x50x32xf32, #tpu.memory_space<vmem>>
      %dma_start3A_108 = tpu.memref_squeeze %dma_start3A_107 : memref<1x16x50x32xf32, #tpu.memory_space<vmem>> -> memref<16x50x32xf32, #tpu.memory_space<vmem>>
      %dma_start3A_109 = arith.constant 0 : i32
      %dma_start3A_110 = arith.constant 0 : i32
      %dma_start3A_111 = tpu.memref_slice %dma_start3A_108[%dma_start3A_103, %dma_start3A_109, %dma_start3A_110] : memref<16x50x32xf32, #tpu.memory_space<vmem>> -> memref<1x50x32xf32, #tpu.memory_space<vmem>>
      %dma_start3A_112 = tpu.memref_squeeze %dma_start3A_111 : memref<1x50x32xf32, #tpu.memory_space<vmem>> -> memref<50x32xf32, #tpu.memory_space<vmem>>
      %dma_start3A_113 = arith.constant 0 : i32
      %dma_start3A_114 = arith.constant 0 : i32
      %dma_start3A_115 = tpu.memref_slice %arg5[%rem3A_63, %dma_start3A_113, %dma_start3A_114] : memref<2x16x50xi32, #tpu.memory_space<vmem>> -> memref<1x16x50xi32, #tpu.memory_space<vmem>>
      %dma_start3A_116 = tpu.memref_squeeze %dma_start3A_115 : memref<1x16x50xi32, #tpu.memory_space<vmem>> -> memref<16x50xi32, #tpu.memory_space<vmem>>
      %dma_start3A_117 = arith.constant 0 : i32
      %dma_start3A_118 = tpu.memref_slice %dma_start3A_116[%dma_start3A_102, %dma_start3A_117] : memref<16x50xi32, #tpu.memory_space<vmem>> -> memref<1x50xi32, #tpu.memory_space<vmem>>
      %dma_start3A_119 = tpu.memref_squeeze %dma_start3A_118 : memref<1x50xi32, #tpu.memory_space<vmem>> -> memref<50xi32, #tpu.memory_space<vmem>>
      %dma_start3A_120 = arith.constant 0 : i32
      %dma_start3A_121 = arith.constant 0 : i32
      %dma_start3A_122 = tpu.memref_slice %arg3[%dma_start3A_120, %dma_start3A_121] : memref<1000000x32xf32, #tpu.memory_space<hbm>> -> memref<1000000x32xf32, #tpu.memory_space<hbm>>
      tpu.enqueue_indirect_dma source(%dma_start3A_122 : memref<1000000x32xf32, #tpu.memory_space<hbm>>) target(%dma_start3A_112 : memref<50x32xf32, #tpu.memory_space<vmem>>) offsets(%dma_start3A_119 : memref<50xi32, #tpu.memory_space<vmem>>) semaphore(%arg8 : memref<!tpu.dma_semaphore, #tpu.memory_space<semaphore_mem>>)
      %dma_start3A_123 = arith.constant 2 : i32
      %dma_start3A_124 = arith.constant 2 : i32
      %dma_start3A_125 = arith.constant 0 : i32
      %dma_start3A_126 = arith.constant 0 : i32
      %dma_start3A_127 = arith.constant 0 : i32
      %dma_start3A_128 = tpu.memref_slice %arg6[%rem3A_63, %dma_start3A_125, %dma_start3A_126, %dma_start3A_127] : memref<2x16x50x32xf32, #tpu.memory_space<vmem>> -> memref<1x16x50x32xf32, #tpu.memory_space<vmem>>
      %dma_start3A_129 = tpu.memref_squeeze %dma_start3A_128 : memref<1x16x50x32xf32, #tpu.memory_space<vmem>> -> memref<16x50x32xf32, #tpu.memory_space<vmem>>
      %dma_start3A_130 = arith.constant 0 : i32
      %dma_start3A_131 = arith.constant 0 : i32
      %dma_start3A_132 = tpu.memref_slice %dma_start3A_129[%dma_start3A_124, %dma_start3A_130, %dma_start3A_131] : memref<16x50x32xf32, #tpu.memory_space<vmem>> -> memref<1x50x32xf32, #tpu.memory_space<vmem>>
      %dma_start3A_133 = tpu.memref_squeeze %dma_start3A_132 : memref<1x50x32xf32, #tpu.memory_space<vmem>> -> memref<50x32xf32, #tpu.memory_space<vmem>>
      %dma_start3A_134 = arith.constant 0 : i32
      %dma_start3A_135 = arith.constant 0 : i32
      %dma_start3A_136 = tpu.memref_slice %arg5[%rem3A_63, %dma_start3A_134, %dma_start3A_135] : memref<2x16x50xi32, #tpu.memory_space<vmem>> -> memref<1x16x50xi32, #tpu.memory_space<vmem>>
      %dma_start3A_137 = tpu.memref_squeeze %dma_start3A_136 : memref<1x16x50xi32, #tpu.memory_space<vmem>> -> memref<16x50xi32, #tpu.memory_space<vmem>>
      %dma_start3A_138 = arith.constant 0 : i32
      %dma_start3A_139 = tpu.memref_slice %dma_start3A_137[%dma_start3A_123, %dma_start3A_138] : memref<16x50xi32, #tpu.memory_space<vmem>> -> memref<1x50xi32, #tpu.memory_space<vmem>>
      %dma_start3A_140 = tpu.memref_squeeze %dma_start3A_139 : memref<1x50xi32, #tpu.memory_space<vmem>> -> memref<50xi32, #tpu.memory_space<vmem>>
      %dma_start3A_141 = arith.constant 0 : i32
      %dma_start3A_142 = arith.constant 0 : i32
      %dma_start3A_143 = tpu.memref_slice %arg3[%dma_start3A_141, %dma_start3A_142] : memref<1000000x32xf32, #tpu.memory_space<hbm>> -> memref<1000000x32xf32, #tpu.memory_space<hbm>>
      tpu.enqueue_indirect_dma source(%dma_start3A_143 : memref<1000000x32xf32, #tpu.memory_space<hbm>>) target(%dma_start3A_133 : memref<50x32xf32, #tpu.memory_space<vmem>>) offsets(%dma_start3A_140 : memref<50xi32, #tpu.memory_space<vmem>>) semaphore(%arg8 : memref<!tpu.dma_semaphore, #tpu.memory_space<semaphore_mem>>)
      %dma_start3A_144 = arith.constant 3 : i32
      %dma_start3A_145 = arith.constant 3 : i32
      %dma_start3A_146 = arith.constant 0 : i32
      %dma_start3A_147 = arith.constant 0 : i32
      %dma_start3A_148 = arith.constant 0 : i32
      %dma_start3A_149 = tpu.memref_slice %arg6[%rem3A_63, %dma_start3A_146, %dma_start3A_147, %dma_start3A_148] : memref<2x16x50x32xf32, #tpu.memory_space<vmem>> -> memref<1x16x50x32xf32, #tpu.memory_space<vmem>>
      %dma_start3A_150 = tpu.memref_squeeze %dma_start3A_149 : memref<1x16x50x32xf32, #tpu.memory_space<vmem>> -> memref<16x50x32xf32, #tpu.memory_space<vmem>>
      %dma_start3A_151 = arith.constant 0 : i32
      %dma_start3A_152 = arith.constant 0 : i32
      %dma_start3A_153 = tpu.memref_slice %dma_start3A_150[%dma_start3A_145, %dma_start3A_151, %dma_start3A_152] : memref<16x50x32xf32, #tpu.memory_space<vmem>> -> memref<1x50x32xf32, #tpu.memory_space<vmem>>
      %dma_start3A_154 = tpu.memref_squeeze %dma_start3A_153 : memref<1x50x32xf32, #tpu.memory_space<vmem>> -> memref<50x32xf32, #tpu.memory_space<vmem>>
      %dma_start3A_155 = arith.constant 0 : i32
      %dma_start3A_156 = arith.constant 0 : i32
      %dma_start3A_157 = tpu.memref_slice %arg5[%rem3A_63, %dma_start3A_155, %dma_start3A_156] : memref<2x16x50xi32, #tpu.memory_space<vmem>> -> memref<1x16x50xi32, #tpu.memory_space<vmem>>
      %dma_start3A_158 = tpu.memref_squeeze %dma_start3A_157 : memref<1x16x50xi32, #tpu.memory_space<vmem>> -> memref<16x50xi32, #tpu.memory_space<vmem>>
      %dma_start3A_159 = arith.constant 0 : i32
      %dma_start3A_160 = tpu.memref_slice %dma_start3A_158[%dma_start3A_144, %dma_start3A_159] : memref<16x50xi32, #tpu.memory_space<vmem>> -> memref<1x50xi32, #tpu.memory_space<vmem>>
      %dma_start3A_161 = tpu.memref_squeeze %dma_start3A_160 : memref<1x50xi32, #tpu.memory_space<vmem>> -> memref<50xi32, #tpu.memory_space<vmem>>
      %dma_start3A_162 = arith.constant 0 : i32
      %dma_start3A_163 = arith.constant 0 : i32
      %dma_start3A_164 = tpu.memref_slice %arg3[%dma_start3A_162, %dma_start3A_163] : memref<1000000x32xf32, #tpu.memory_space<hbm>> -> memref<1000000x32xf32, #tpu.memory_space<hbm>>
      tpu.enqueue_indirect_dma source(%dma_start3A_164 : memref<1000000x32xf32, #tpu.memory_space<hbm>>) target(%dma_start3A_154 : memref<50x32xf32, #tpu.memory_space<vmem>>) offsets(%dma_start3A_161 : memref<50xi32, #tpu.memory_space<vmem>>) semaphore(%arg8 : memref<!tpu.dma_semaphore, #tpu.memory_space<semaphore_mem>>)
      %dma_start3A_165 = arith.constant 4 : i32
      %dma_start3A_166 = arith.constant 4 : i32
      %dma_start3A_167 = arith.constant 0 : i32
      %dma_start3A_168 = arith.constant 0 : i32
      %dma_start3A_169 = arith.constant 0 : i32
      %dma_start3A_170 = tpu.memref_slice %arg6[%rem3A_63, %dma_start3A_167, %dma_start3A_168, %dma_start3A_169] : memref<2x16x50x32xf32, #tpu.memory_space<vmem>> -> memref<1x16x50x32xf32, #tpu.memory_space<vmem>>
      %dma_start3A_171 = tpu.memref_squeeze %dma_start3A_170 : memref<1x16x50x32xf32, #tpu.memory_space<vmem>> -> memref<16x50x32xf32, #tpu.memory_space<vmem>>
      %dma_start3A_172 = arith.constant 0 : i32
      %dma_start3A_173 = arith.constant 0 : i32
      %dma_start3A_174 = tpu.memref_slice %dma_start3A_171[%dma_start3A_166, %dma_start3A_172, %dma_start3A_173] : memref<16x50x32xf32, #tpu.memory_space<vmem>> -> memref<1x50x32xf32, #tpu.memory_space<vmem>>
      %dma_start3A_175 = tpu.memref_squeeze %dma_start3A_174 : memref<1x50x32xf32, #tpu.memory_space<vmem>> -> memref<50x32xf32, #tpu.memory_space<vmem>>
      %dma_start3A_176 = arith.constant 0 : i32
      %dma_start3A_177 = arith.constant 0 : i32
      %dma_start3A_178 = tpu.memref_slice %arg5[%rem3A_63, %dma_start3A_176, %dma_start3A_177] : memref<2x16x50xi32, #tpu.memory_space<vmem>> -> memref<1x16x50xi32, #tpu.memory_space<vmem>>
      %dma_start3A_179 = tpu.memref_squeeze %dma_start3A_178 : memref<1x16x50xi32, #tpu.memory_space<vmem>> -> memref<16x50xi32, #tpu.memory_space<vmem>>
      %dma_start3A_180 = arith.constant 0 : i32
      %dma_start3A_181 = tpu.memref_slice %dma_start3A_179[%dma_start3A_165, %dma_start3A_180] : memref<16x50xi32, #tpu.memory_space<vmem>> -> memref<1x50xi32, #tpu.memory_space<vmem>>
      %dma_start3A_182 = tpu.memref_squeeze %dma_start3A_181 : memref<1x50xi32, #tpu.memory_space<vmem>> -> memref<50xi32, #tpu.memory_space<vmem>>
      %dma_start3A_183 = arith.constant 0 : i32
      %dma_start3A_184 = arith.constant 0 : i32
      %dma_start3A_185 = tpu.memref_slice %arg3[%dma_start3A_183, %dma_start3A_184] : memref<1000000x32xf32, #tpu.memory_space<hbm>> -> memref<1000000x32xf32, #tpu.memory_space<hbm>>
      tpu.enqueue_indirect_dma source(%dma_start3A_185 : memref<1000000x32xf32, #tpu.memory_space<hbm>>) target(%dma_start3A_175 : memref<50x32xf32, #tpu.memory_space<vmem>>) offsets(%dma_start3A_182 : memref<50xi32, #tpu.memory_space<vmem>>) semaphore(%arg8 : memref<!tpu.dma_semaphore, #tpu.memory_space<semaphore_mem>>)
      %dma_start3A_186 = arith.constant 5 : i32
      %dma_start3A_187 = arith.constant 5 : i32
      %dma_start3A_188 = arith.constant 0 : i32
      %dma_start3A_189 = arith.constant 0 : i32
      %dma_start3A_190 = arith.constant 0 : i32
      %dma_start3A_191 = tpu.memref_slice %arg6[%rem3A_63, %dma_start3A_188, %dma_start3A_189, %dma_start3A_190] : memref<2x16x50x32xf32, #tpu.memory_space<vmem>> -> memref<1x16x50x32xf32, #tpu.memory_space<vmem>>
      %dma_start3A_192 = tpu.memref_squeeze %dma_start3A_191 : memref<1x16x50x32xf32, #tpu.memory_space<vmem>> -> memref<16x50x32xf32, #tpu.memory_space<vmem>>
      %dma_start3A_193 = arith.constant 0 : i32
      %dma_start3A_194 = arith.constant 0 : i32
      %dma_start3A_195 = tpu.memref_slice %dma_start3A_192[%dma_start3A_187, %dma_start3A_193, %dma_start3A_194] : memref<16x50x32xf32, #tpu.memory_space<vmem>> -> memref<1x50x32xf32, #tpu.memory_space<vmem>>
      %dma_start3A_196 = tpu.memref_squeeze %dma_start3A_195 : memref<1x50x32xf32, #tpu.memory_space<vmem>> -> memref<50x32xf32, #tpu.memory_space<vmem>>
      %dma_start3A_197 = arith.constant 0 : i32
      %dma_start3A_198 = arith.constant 0 : i32
      %dma_start3A_199 = tpu.memref_slice %arg5[%rem3A_63, %dma_start3A_197, %dma_start3A_198] : memref<2x16x50xi32, #tpu.memory_space<vmem>> -> memref<1x16x50xi32, #tpu.memory_space<vmem>>
      %dma_start3A_200 = tpu.memref_squeeze %dma_start3A_199 : memref<1x16x50xi32, #tpu.memory_space<vmem>> -> memref<16x50xi32, #tpu.memory_space<vmem>>
      %dma_start3A_201 = arith.constant 0 : i32
      %dma_start3A_202 = tpu.memref_slice %dma_start3A_200[%dma_start3A_186, %dma_start3A_201] : memref<16x50xi32, #tpu.memory_space<vmem>> -> memref<1x50xi32, #tpu.memory_space<vmem>>
      %dma_start3A_203 = tpu.memref_squeeze %dma_start3A_202 : memref<1x50xi32, #tpu.memory_space<vmem>> -> memref<50xi32, #tpu.memory_space<vmem>>
      %dma_start3A_204 = arith.constant 0 : i32
      %dma_start3A_205 = arith.constant 0 : i32
      %dma_start3A_206 = tpu.memref_slice %arg3[%dma_start3A_204, %dma_start3A_205] : memref<1000000x32xf32, #tpu.memory_space<hbm>> -> memref<1000000x32xf32, #tpu.memory_space<hbm>>
      tpu.enqueue_indirect_dma source(%dma_start3A_206 : memref<1000000x32xf32, #tpu.memory_space<hbm>>) target(%dma_start3A_196 : memref<50x32xf32, #tpu.memory_space<vmem>>) offsets(%dma_start3A_203 : memref<50xi32, #tpu.memory_space<vmem>>) semaphore(%arg8 : memref<!tpu.dma_semaphore, #tpu.memory_space<semaphore_mem>>)
      %dma_start3A_207 = arith.constant 6 : i32
      %dma_start3A_208 = arith.constant 6 : i32
      %dma_start3A_209 = arith.constant 0 : i32
      %dma_start3A_210 = arith.constant 0 : i32
      %dma_start3A_211 = arith.constant 0 : i32
      %dma_start3A_212 = tpu.memref_slice %arg6[%rem3A_63, %dma_start3A_209, %dma_start3A_210, %dma_start3A_211] : memref<2x16x50x32xf32, #tpu.memory_space<vmem>> -> memref<1x16x50x32xf32, #tpu.memory_space<vmem>>
      %dma_start3A_213 = tpu.memref_squeeze %dma_start3A_212 : memref<1x16x50x32xf32, #tpu.memory_space<vmem>> -> memref<16x50x32xf32, #tpu.memory_space<vmem>>
      %dma_start3A_214 = arith.constant 0 : i32
      %dma_start3A_215 = arith.constant 0 : i32
      %dma_start3A_216 = tpu.memref_slice %dma_start3A_213[%dma_start3A_208, %dma_start3A_214, %dma_start3A_215] : memref<16x50x32xf32, #tpu.memory_space<vmem>> -> memref<1x50x32xf32, #tpu.memory_space<vmem>>
      %dma_start3A_217 = tpu.memref_squeeze %dma_start3A_216 : memref<1x50x32xf32, #tpu.memory_space<vmem>> -> memref<50x32xf32, #tpu.memory_space<vmem>>
      %dma_start3A_218 = arith.constant 0 : i32
      %dma_start3A_219 = arith.constant 0 : i32
      %dma_start3A_220 = tpu.memref_slice %arg5[%rem3A_63, %dma_start3A_218, %dma_start3A_219] : memref<2x16x50xi32, #tpu.memory_space<vmem>> -> memref<1x16x50xi32, #tpu.memory_space<vmem>>
      %dma_start3A_221 = tpu.memref_squeeze %dma_start3A_220 : memref<1x16x50xi32, #tpu.memory_space<vmem>> -> memref<16x50xi32, #tpu.memory_space<vmem>>
      %dma_start3A_222 = arith.constant 0 : i32
      %dma_start3A_223 = tpu.memref_slice %dma_start3A_221[%dma_start3A_207, %dma_start3A_222] : memref<16x50xi32, #tpu.memory_space<vmem>> -> memref<1x50xi32, #tpu.memory_space<vmem>>
      %dma_start3A_224 = tpu.memref_squeeze %dma_start3A_223 : memref<1x50xi32, #tpu.memory_space<vmem>> -> memref<50xi32, #tpu.memory_space<vmem>>
      %dma_start3A_225 = arith.constant 0 : i32
      %dma_start3A_226 = arith.constant 0 : i32
      %dma_start3A_227 = tpu.memref_slice %arg3[%dma_start3A_225, %dma_start3A_226] : memref<1000000x32xf32, #tpu.memory_space<hbm>> -> memref<1000000x32xf32, #tpu.memory_space<hbm>>
      tpu.enqueue_indirect_dma source(%dma_start3A_227 : memref<1000000x32xf32, #tpu.memory_space<hbm>>) target(%dma_start3A_217 : memref<50x32xf32, #tpu.memory_space<vmem>>) offsets(%dma_start3A_224 : memref<50xi32, #tpu.memory_space<vmem>>) semaphore(%arg8 : memref<!tpu.dma_semaphore, #tpu.memory_space<semaphore_mem>>)
      %dma_start3A_228 = arith.constant 7 : i32
      %dma_start3A_229 = arith.constant 7 : i32
      %dma_start3A_230 = arith.constant 0 : i32
      %dma_start3A_231 = arith.constant 0 : i32
      %dma_start3A_232 = arith.constant 0 : i32
      %dma_start3A_233 = tpu.memref_slice %arg6[%rem3A_63, %dma_start3A_230, %dma_start3A_231, %dma_start3A_232] : memref<2x16x50x32xf32, #tpu.memory_space<vmem>> -> memref<1x16x50x32xf32, #tpu.memory_space<vmem>>
      %dma_start3A_234 = tpu.memref_squeeze %dma_start3A_233 : memref<1x16x50x32xf32, #tpu.memory_space<vmem>> -> memref<16x50x32xf32, #tpu.memory_space<vmem>>
      %dma_start3A_235 = arith.constant 0 : i32
      %dma_start3A_236 = arith.constant 0 : i32
      %dma_start3A_237 = tpu.memref_slice %dma_start3A_234[%dma_start3A_229, %dma_start3A_235, %dma_start3A_236] : memref<16x50x32xf32, #tpu.memory_space<vmem>> -> memref<1x50x32xf32, #tpu.memory_space<vmem>>
      %dma_start3A_238 = tpu.memref_squeeze %dma_start3A_237 : memref<1x50x32xf32, #tpu.memory_space<vmem>> -> memref<50x32xf32, #tpu.memory_space<vmem>>
      %dma_start3A_239 = arith.constant 0 : i32
      %dma_start3A_240 = arith.constant 0 : i32
      %dma_start3A_241 = tpu.memref_slice %arg5[%rem3A_63, %dma_start3A_239, %dma_start3A_240] : memref<2x16x50xi32, #tpu.memory_space<vmem>> -> memref<1x16x50xi32, #tpu.memory_space<vmem>>
      %dma_start3A_242 = tpu.memref_squeeze %dma_start3A_241 : memref<1x16x50xi32, #tpu.memory_space<vmem>> -> memref<16x50xi32, #tpu.memory_space<vmem>>
      %dma_start3A_243 = arith.constant 0 : i32
      %dma_start3A_244 = tpu.memref_slice %dma_start3A_242[%dma_start3A_228, %dma_start3A_243] : memref<16x50xi32, #tpu.memory_space<vmem>> -> memref<1x50xi32, #tpu.memory_space<vmem>>
      %dma_start3A_245 = tpu.memref_squeeze %dma_start3A_244 : memref<1x50xi32, #tpu.memory_space<vmem>> -> memref<50xi32, #tpu.memory_space<vmem>>
      %dma_start3A_246 = arith.constant 0 : i32
      %dma_start3A_247 = arith.constant 0 : i32
      %dma_start3A_248 = tpu.memref_slice %arg3[%dma_start3A_246, %dma_start3A_247] : memref<1000000x32xf32, #tpu.memory_space<hbm>> -> memref<1000000x32xf32, #tpu.memory_space<hbm>>
      tpu.enqueue_indirect_dma source(%dma_start3A_248 : memref<1000000x32xf32, #tpu.memory_space<hbm>>) target(%dma_start3A_238 : memref<50x32xf32, #tpu.memory_space<vmem>>) offsets(%dma_start3A_245 : memref<50xi32, #tpu.memory_space<vmem>>) semaphore(%arg8 : memref<!tpu.dma_semaphore, #tpu.memory_space<semaphore_mem>>)
      %dma_start3A_249 = arith.constant 8 : i32
      %dma_start3A_250 = arith.constant 8 : i32
      %dma_start3A_251 = arith.constant 0 : i32
      %dma_start3A_252 = arith.constant 0 : i32
      %dma_start3A_253 = arith.constant 0 : i32
      %dma_start3A_254 = tpu.memref_slice %arg6[%rem3A_63, %dma_start3A_251, %dma_start3A_252, %dma_start3A_253] : memref<2x16x50x32xf32, #tpu.memory_space<vmem>> -> memref<1x16x50x32xf32, #tpu.memory_space<vmem>>
      %dma_start3A_255 = tpu.memref_squeeze %dma_start3A_254 : memref<1x16x50x32xf32, #tpu.memory_space<vmem>> -> memref<16x50x32xf32, #tpu.memory_space<vmem>>
      %dma_start3A_256 = arith.constant 0 : i32
      %dma_start3A_257 = arith.constant 0 : i32
      %dma_start3A_258 = tpu.memref_slice %dma_start3A_255[%dma_start3A_250, %dma_start3A_256, %dma_start3A_257] : memref<16x50x32xf32, #tpu.memory_space<vmem>> -> memref<1x50x32xf32, #tpu.memory_space<vmem>>
      %dma_start3A_259 = tpu.memref_squeeze %dma_start3A_258 : memref<1x50x32xf32, #tpu.memory_space<vmem>> -> memref<50x32xf32, #tpu.memory_space<vmem>>
      %dma_start3A_260 = arith.constant 0 : i32
      %dma_start3A_261 = arith.constant 0 : i32
      %dma_start3A_262 = tpu.memref_slice %arg5[%rem3A_63, %dma_start3A_260, %dma_start3A_261] : memref<2x16x50xi32, #tpu.memory_space<vmem>> -> memref<1x16x50xi32, #tpu.memory_space<vmem>>
      %dma_start3A_263 = tpu.memref_squeeze %dma_start3A_262 : memref<1x16x50xi32, #tpu.memory_space<vmem>> -> memref<16x50xi32, #tpu.memory_space<vmem>>
      %dma_start3A_264 = arith.constant 0 : i32
      %dma_start3A_265 = tpu.memref_slice %dma_start3A_263[%dma_start3A_249, %dma_start3A_264] : memref<16x50xi32, #tpu.memory_space<vmem>> -> memref<1x50xi32, #tpu.memory_space<vmem>>
      %dma_start3A_266 = tpu.memref_squeeze %dma_start3A_265 : memref<1x50xi32, #tpu.memory_space<vmem>> -> memref<50xi32, #tpu.memory_space<vmem>>
      %dma_start3A_267 = arith.constant 0 : i32
      %dma_start3A_268 = arith.constant 0 : i32
      %dma_start3A_269 = tpu.memref_slice %arg3[%dma_start3A_267, %dma_start3A_268] : memref<1000000x32xf32, #tpu.memory_space<hbm>> -> memref<1000000x32xf32, #tpu.memory_space<hbm>>
      tpu.enqueue_indirect_dma source(%dma_start3A_269 : memref<1000000x32xf32, #tpu.memory_space<hbm>>) target(%dma_start3A_259 : memref<50x32xf32, #tpu.memory_space<vmem>>) offsets(%dma_start3A_266 : memref<50xi32, #tpu.memory_space<vmem>>) semaphore(%arg8 : memref<!tpu.dma_semaphore, #tpu.memory_space<semaphore_mem>>)
      %dma_start3A_270 = arith.constant 9 : i32
      %dma_start3A_271 = arith.constant 9 : i32
      %dma_start3A_272 = arith.constant 0 : i32
      %dma_start3A_273 = arith.constant 0 : i32
      %dma_start3A_274 = arith.constant 0 : i32
      %dma_start3A_275 = tpu.memref_slice %arg6[%rem3A_63, %dma_start3A_272, %dma_start3A_273, %dma_start3A_274] : memref<2x16x50x32xf32, #tpu.memory_space<vmem>> -> memref<1x16x50x32xf32, #tpu.memory_space<vmem>>
      %dma_start3A_276 = tpu.memref_squeeze %dma_start3A_275 : memref<1x16x50x32xf32, #tpu.memory_space<vmem>> -> memref<16x50x32xf32, #tpu.memory_space<vmem>>
      %dma_start3A_277 = arith.constant 0 : i32
      %dma_start3A_278 = arith.constant 0 : i32
      %dma_start3A_279 = tpu.memref_slice %dma_start3A_276[%dma_start3A_271, %dma_start3A_277, %dma_start3A_278] : memref<16x50x32xf32, #tpu.memory_space<vmem>> -> memref<1x50x32xf32, #tpu.memory_space<vmem>>
      %dma_start3A_280 = tpu.memref_squeeze %dma_start3A_279 : memref<1x50x32xf32, #tpu.memory_space<vmem>> -> memref<50x32xf32, #tpu.memory_space<vmem>>
      %dma_start3A_281 = arith.constant 0 : i32
      %dma_start3A_282 = arith.constant 0 : i32
      %dma_start3A_283 = tpu.memref_slice %arg5[%rem3A_63, %dma_start3A_281, %dma_start3A_282] : memref<2x16x50xi32, #tpu.memory_space<vmem>> -> memref<1x16x50xi32, #tpu.memory_space<vmem>>
      %dma_start3A_284 = tpu.memref_squeeze %dma_start3A_283 : memref<1x16x50xi32, #tpu.memory_space<vmem>> -> memref<16x50xi32, #tpu.memory_space<vmem>>
      %dma_start3A_285 = arith.constant 0 : i32
      %dma_start3A_286 = tpu.memref_slice %dma_start3A_284[%dma_start3A_270, %dma_start3A_285] : memref<16x50xi32, #tpu.memory_space<vmem>> -> memref<1x50xi32, #tpu.memory_space<vmem>>
      %dma_start3A_287 = tpu.memref_squeeze %dma_start3A_286 : memref<1x50xi32, #tpu.memory_space<vmem>> -> memref<50xi32, #tpu.memory_space<vmem>>
      %dma_start3A_288 = arith.constant 0 : i32
      %dma_start3A_289 = arith.constant 0 : i32
      %dma_start3A_290 = tpu.memref_slice %arg3[%dma_start3A_288, %dma_start3A_289] : memref<1000000x32xf32, #tpu.memory_space<hbm>> -> memref<1000000x32xf32, #tpu.memory_space<hbm>>
      tpu.enqueue_indirect_dma source(%dma_start3A_290 : memref<1000000x32xf32, #tpu.memory_space<hbm>>) target(%dma_start3A_280 : memref<50x32xf32, #tpu.memory_space<vmem>>) offsets(%dma_start3A_287 : memref<50xi32, #tpu.memory_space<vmem>>) semaphore(%arg8 : memref<!tpu.dma_semaphore, #tpu.memory_space<semaphore_mem>>)
      %dma_start3A_291 = arith.constant 10 : i32
      %dma_start3A_292 = arith.constant 10 : i32
      %dma_start3A_293 = arith.constant 0 : i32
      %dma_start3A_294 = arith.constant 0 : i32
      %dma_start3A_295 = arith.constant 0 : i32
      %dma_start3A_296 = tpu.memref_slice %arg6[%rem3A_63, %dma_start3A_293, %dma_start3A_294, %dma_start3A_295] : memref<2x16x50x32xf32, #tpu.memory_space<vmem>> -> memref<1x16x50x32xf32, #tpu.memory_space<vmem>>
      %dma_start3A_297 = tpu.memref_squeeze %dma_start3A_296 : memref<1x16x50x32xf32, #tpu.memory_space<vmem>> -> memref<16x50x32xf32, #tpu.memory_space<vmem>>
      %dma_start3A_298 = arith.constant 0 : i32
      %dma_start3A_299 = arith.constant 0 : i32
      %dma_start3A_300 = tpu.memref_slice %dma_start3A_297[%dma_start3A_292, %dma_start3A_298, %dma_start3A_299] : memref<16x50x32xf32, #tpu.memory_space<vmem>> -> memref<1x50x32xf32, #tpu.memory_space<vmem>>
      %dma_start3A_301 = tpu.memref_squeeze %dma_start3A_300 : memref<1x50x32xf32, #tpu.memory_space<vmem>> -> memref<50x32xf32, #tpu.memory_space<vmem>>
      %dma_start3A_302 = arith.constant 0 : i32
      %dma_start3A_303 = arith.constant 0 : i32
      %dma_start3A_304 = tpu.memref_slice %arg5[%rem3A_63, %dma_start3A_302, %dma_start3A_303] : memref<2x16x50xi32, #tpu.memory_space<vmem>> -> memref<1x16x50xi32, #tpu.memory_space<vmem>>
      %dma_start3A_305 = tpu.memref_squeeze %dma_start3A_304 : memref<1x16x50xi32, #tpu.memory_space<vmem>> -> memref<16x50xi32, #tpu.memory_space<vmem>>
      %dma_start3A_306 = arith.constant 0 : i32
      %dma_start3A_307 = tpu.memref_slice %dma_start3A_305[%dma_start3A_291, %dma_start3A_306] : memref<16x50xi32, #tpu.memory_space<vmem>> -> memref<1x50xi32, #tpu.memory_space<vmem>>
      %dma_start3A_308 = tpu.memref_squeeze %dma_start3A_307 : memref<1x50xi32, #tpu.memory_space<vmem>> -> memref<50xi32, #tpu.memory_space<vmem>>
      %dma_start3A_309 = arith.constant 0 : i32
      %dma_start3A_310 = arith.constant 0 : i32
      %dma_start3A_311 = tpu.memref_slice %arg3[%dma_start3A_309, %dma_start3A_310] : memref<1000000x32xf32, #tpu.memory_space<hbm>> -> memref<1000000x32xf32, #tpu.memory_space<hbm>>
      tpu.enqueue_indirect_dma source(%dma_start3A_311 : memref<1000000x32xf32, #tpu.memory_space<hbm>>) target(%dma_start3A_301 : memref<50x32xf32, #tpu.memory_space<vmem>>) offsets(%dma_start3A_308 : memref<50xi32, #tpu.memory_space<vmem>>) semaphore(%arg8 : memref<!tpu.dma_semaphore, #tpu.memory_space<semaphore_mem>>)
      %dma_start3A_312 = arith.constant 11 : i32
      %dma_start3A_313 = arith.constant 11 : i32
      %dma_start3A_314 = arith.constant 0 : i32
      %dma_start3A_315 = arith.constant 0 : i32
      %dma_start3A_316 = arith.constant 0 : i32
      %dma_start3A_317 = tpu.memref_slice %arg6[%rem3A_63, %dma_start3A_314, %dma_start3A_315, %dma_start3A_316] : memref<2x16x50x32xf32, #tpu.memory_space<vmem>> -> memref<1x16x50x32xf32, #tpu.memory_space<vmem>>
      %dma_start3A_318 = tpu.memref_squeeze %dma_start3A_317 : memref<1x16x50x32xf32, #tpu.memory_space<vmem>> -> memref<16x50x32xf32, #tpu.memory_space<vmem>>
      %dma_start3A_319 = arith.constant 0 : i32
      %dma_start3A_320 = arith.constant 0 : i32
      %dma_start3A_321 = tpu.memref_slice %dma_start3A_318[%dma_start3A_313, %dma_start3A_319, %dma_start3A_320] : memref<16x50x32xf32, #tpu.memory_space<vmem>> -> memref<1x50x32xf32, #tpu.memory_space<vmem>>
      %dma_start3A_322 = tpu.memref_squeeze %dma_start3A_321 : memref<1x50x32xf32, #tpu.memory_space<vmem>> -> memref<50x32xf32, #tpu.memory_space<vmem>>
      %dma_start3A_323 = arith.constant 0 : i32
      %dma_start3A_324 = arith.constant 0 : i32
      %dma_start3A_325 = tpu.memref_slice %arg5[%rem3A_63, %dma_start3A_323, %dma_start3A_324] : memref<2x16x50xi32, #tpu.memory_space<vmem>> -> memref<1x16x50xi32, #tpu.memory_space<vmem>>
      %dma_start3A_326 = tpu.memref_squeeze %dma_start3A_325 : memref<1x16x50xi32, #tpu.memory_space<vmem>> -> memref<16x50xi32, #tpu.memory_space<vmem>>
      %dma_start3A_327 = arith.constant 0 : i32
      %dma_start3A_328 = tpu.memref_slice %dma_start3A_326[%dma_start3A_312, %dma_start3A_327] : memref<16x50xi32, #tpu.memory_space<vmem>> -> memref<1x50xi32, #tpu.memory_space<vmem>>
      %dma_start3A_329 = tpu.memref_squeeze %dma_start3A_328 : memref<1x50xi32, #tpu.memory_space<vmem>> -> memref<50xi32, #tpu.memory_space<vmem>>
      %dma_start3A_330 = arith.constant 0 : i32
      %dma_start3A_331 = arith.constant 0 : i32
      %dma_start3A_332 = tpu.memref_slice %arg3[%dma_start3A_330, %dma_start3A_331] : memref<1000000x32xf32, #tpu.memory_space<hbm>> -> memref<1000000x32xf32, #tpu.memory_space<hbm>>
      tpu.enqueue_indirect_dma source(%dma_start3A_332 : memref<1000000x32xf32, #tpu.memory_space<hbm>>) target(%dma_start3A_322 : memref<50x32xf32, #tpu.memory_space<vmem>>) offsets(%dma_start3A_329 : memref<50xi32, #tpu.memory_space<vmem>>) semaphore(%arg8 : memref<!tpu.dma_semaphore, #tpu.memory_space<semaphore_mem>>)
      %dma_start3A_333 = arith.constant 12 : i32
      %dma_start3A_334 = arith.constant 12 : i32
      %dma_start3A_335 = arith.constant 0 : i32
      %dma_start3A_336 = arith.constant 0 : i32
      %dma_start3A_337 = arith.constant 0 : i32
      %dma_start3A_338 = tpu.memref_slice %arg6[%rem3A_63, %dma_start3A_335, %dma_start3A_336, %dma_start3A_337] : memref<2x16x50x32xf32, #tpu.memory_space<vmem>> -> memref<1x16x50x32xf32, #tpu.memory_space<vmem>>
      %dma_start3A_339 = tpu.memref_squeeze %dma_start3A_338 : memref<1x16x50x32xf32, #tpu.memory_space<vmem>> -> memref<16x50x32xf32, #tpu.memory_space<vmem>>
      %dma_start3A_340 = arith.constant 0 : i32
      %dma_start3A_341 = arith.constant 0 : i32
      %dma_start3A_342 = tpu.memref_slice %dma_start3A_339[%dma_start3A_334, %dma_start3A_340, %dma_start3A_341] : memref<16x50x32xf32, #tpu.memory_space<vmem>> -> memref<1x50x32xf32, #tpu.memory_space<vmem>>
      %dma_start3A_343 = tpu.memref_squeeze %dma_start3A_342 : memref<1x50x32xf32, #tpu.memory_space<vmem>> -> memref<50x32xf32, #tpu.memory_space<vmem>>
      %dma_start3A_344 = arith.constant 0 : i32
      %dma_start3A_345 = arith.constant 0 : i32
      %dma_start3A_346 = tpu.memref_slice %arg5[%rem3A_63, %dma_start3A_344, %dma_start3A_345] : memref<2x16x50xi32, #tpu.memory_space<vmem>> -> memref<1x16x50xi32, #tpu.memory_space<vmem>>
      %dma_start3A_347 = tpu.memref_squeeze %dma_start3A_346 : memref<1x16x50xi32, #tpu.memory_space<vmem>> -> memref<16x50xi32, #tpu.memory_space<vmem>>
      %dma_start3A_348 = arith.constant 0 : i32
      %dma_start3A_349 = tpu.memref_slice %dma_start3A_347[%dma_start3A_333, %dma_start3A_348] : memref<16x50xi32, #tpu.memory_space<vmem>> -> memref<1x50xi32, #tpu.memory_space<vmem>>
      %dma_start3A_350 = tpu.memref_squeeze %dma_start3A_349 : memref<1x50xi32, #tpu.memory_space<vmem>> -> memref<50xi32, #tpu.memory_space<vmem>>
      %dma_start3A_351 = arith.constant 0 : i32
      %dma_start3A_352 = arith.constant 0 : i32
      %dma_start3A_353 = tpu.memref_slice %arg3[%dma_start3A_351, %dma_start3A_352] : memref<1000000x32xf32, #tpu.memory_space<hbm>> -> memref<1000000x32xf32, #tpu.memory_space<hbm>>
      tpu.enqueue_indirect_dma source(%dma_start3A_353 : memref<1000000x32xf32, #tpu.memory_space<hbm>>) target(%dma_start3A_343 : memref<50x32xf32, #tpu.memory_space<vmem>>) offsets(%dma_start3A_350 : memref<50xi32, #tpu.memory_space<vmem>>) semaphore(%arg8 : memref<!tpu.dma_semaphore, #tpu.memory_space<semaphore_mem>>)
      %dma_start3A_354 = arith.constant 13 : i32
      %dma_start3A_355 = arith.constant 13 : i32
      %dma_start3A_356 = arith.constant 0 : i32
      %dma_start3A_357 = arith.constant 0 : i32
      %dma_start3A_358 = arith.constant 0 : i32
      %dma_start3A_359 = tpu.memref_slice %arg6[%rem3A_63, %dma_start3A_356, %dma_start3A_357, %dma_start3A_358] : memref<2x16x50x32xf32, #tpu.memory_space<vmem>> -> memref<1x16x50x32xf32, #tpu.memory_space<vmem>>
      %dma_start3A_360 = tpu.memref_squeeze %dma_start3A_359 : memref<1x16x50x32xf32, #tpu.memory_space<vmem>> -> memref<16x50x32xf32, #tpu.memory_space<vmem>>
      %dma_start3A_361 = arith.constant 0 : i32
      %dma_start3A_362 = arith.constant 0 : i32
      %dma_start3A_363 = tpu.memref_slice %dma_start3A_360[%dma_start3A_355, %dma_start3A_361, %dma_start3A_362] : memref<16x50x32xf32, #tpu.memory_space<vmem>> -> memref<1x50x32xf32, #tpu.memory_space<vmem>>
      %dma_start3A_364 = tpu.memref_squeeze %dma_start3A_363 : memref<1x50x32xf32, #tpu.memory_space<vmem>> -> memref<50x32xf32, #tpu.memory_space<vmem>>
      %dma_start3A_365 = arith.constant 0 : i32
      %dma_start3A_366 = arith.constant 0 : i32
      %dma_start3A_367 = tpu.memref_slice %arg5[%rem3A_63, %dma_start3A_365, %dma_start3A_366] : memref<2x16x50xi32, #tpu.memory_space<vmem>> -> memref<1x16x50xi32, #tpu.memory_space<vmem>>
      %dma_start3A_368 = tpu.memref_squeeze %dma_start3A_367 : memref<1x16x50xi32, #tpu.memory_space<vmem>> -> memref<16x50xi32, #tpu.memory_space<vmem>>
      %dma_start3A_369 = arith.constant 0 : i32
      %dma_start3A_370 = tpu.memref_slice %dma_start3A_368[%dma_start3A_354, %dma_start3A_369] : memref<16x50xi32, #tpu.memory_space<vmem>> -> memref<1x50xi32, #tpu.memory_space<vmem>>
      %dma_start3A_371 = tpu.memref_squeeze %dma_start3A_370 : memref<1x50xi32, #tpu.memory_space<vmem>> -> memref<50xi32, #tpu.memory_space<vmem>>
      %dma_start3A_372 = arith.constant 0 : i32
      %dma_start3A_373 = arith.constant 0 : i32
      %dma_start3A_374 = tpu.memref_slice %arg3[%dma_start3A_372, %dma_start3A_373] : memref<1000000x32xf32, #tpu.memory_space<hbm>> -> memref<1000000x32xf32, #tpu.memory_space<hbm>>
      tpu.enqueue_indirect_dma source(%dma_start3A_374 : memref<1000000x32xf32, #tpu.memory_space<hbm>>) target(%dma_start3A_364 : memref<50x32xf32, #tpu.memory_space<vmem>>) offsets(%dma_start3A_371 : memref<50xi32, #tpu.memory_space<vmem>>) semaphore(%arg8 : memref<!tpu.dma_semaphore, #tpu.memory_space<semaphore_mem>>)
      %dma_start3A_375 = arith.constant 14 : i32
      %dma_start3A_376 = arith.constant 14 : i32
      %dma_start3A_377 = arith.constant 0 : i32
      %dma_start3A_378 = arith.constant 0 : i32
      %dma_start3A_379 = arith.constant 0 : i32
      %dma_start3A_380 = tpu.memref_slice %arg6[%rem3A_63, %dma_start3A_377, %dma_start3A_378, %dma_start3A_379] : memref<2x16x50x32xf32, #tpu.memory_space<vmem>> -> memref<1x16x50x32xf32, #tpu.memory_space<vmem>>
      %dma_start3A_381 = tpu.memref_squeeze %dma_start3A_380 : memref<1x16x50x32xf32, #tpu.memory_space<vmem>> -> memref<16x50x32xf32, #tpu.memory_space<vmem>>
      %dma_start3A_382 = arith.constant 0 : i32
      %dma_start3A_383 = arith.constant 0 : i32
      %dma_start3A_384 = tpu.memref_slice %dma_start3A_381[%dma_start3A_376, %dma_start3A_382, %dma_start3A_383] : memref<16x50x32xf32, #tpu.memory_space<vmem>> -> memref<1x50x32xf32, #tpu.memory_space<vmem>>
      %dma_start3A_385 = tpu.memref_squeeze %dma_start3A_384 : memref<1x50x32xf32, #tpu.memory_space<vmem>> -> memref<50x32xf32, #tpu.memory_space<vmem>>
      %dma_start3A_386 = arith.constant 0 : i32
      %dma_start3A_387 = arith.constant 0 : i32
      %dma_start3A_388 = tpu.memref_slice %arg5[%rem3A_63, %dma_start3A_386, %dma_start3A_387] : memref<2x16x50xi32, #tpu.memory_space<vmem>> -> memref<1x16x50xi32, #tpu.memory_space<vmem>>
      %dma_start3A_389 = tpu.memref_squeeze %dma_start3A_388 : memref<1x16x50xi32, #tpu.memory_space<vmem>> -> memref<16x50xi32, #tpu.memory_space<vmem>>
      %dma_start3A_390 = arith.constant 0 : i32
      %dma_start3A_391 = tpu.memref_slice %dma_start3A_389[%dma_start3A_375, %dma_start3A_390] : memref<16x50xi32, #tpu.memory_space<vmem>> -> memref<1x50xi32, #tpu.memory_space<vmem>>
      %dma_start3A_392 = tpu.memref_squeeze %dma_start3A_391 : memref<1x50xi32, #tpu.memory_space<vmem>> -> memref<50xi32, #tpu.memory_space<vmem>>
      %dma_start3A_393 = arith.constant 0 : i32
      %dma_start3A_394 = arith.constant 0 : i32
      %dma_start3A_395 = tpu.memref_slice %arg3[%dma_start3A_393, %dma_start3A_394] : memref<1000000x32xf32, #tpu.memory_space<hbm>> -> memref<1000000x32xf32, #tpu.memory_space<hbm>>
      tpu.enqueue_indirect_dma source(%dma_start3A_395 : memref<1000000x32xf32, #tpu.memory_space<hbm>>) target(%dma_start3A_385 : memref<50x32xf32, #tpu.memory_space<vmem>>) offsets(%dma_start3A_392 : memref<50xi32, #tpu.memory_space<vmem>>) semaphore(%arg8 : memref<!tpu.dma_semaphore, #tpu.memory_space<semaphore_mem>>)
      %dma_start3A_396 = arith.constant 15 : i32
      %dma_start3A_397 = arith.constant 15 : i32
      %dma_start3A_398 = arith.constant 0 : i32
      %dma_start3A_399 = arith.constant 0 : i32
      %dma_start3A_400 = arith.constant 0 : i32
      %dma_start3A_401 = tpu.memref_slice %arg6[%rem3A_63, %dma_start3A_398, %dma_start3A_399, %dma_start3A_400] : memref<2x16x50x32xf32, #tpu.memory_space<vmem>> -> memref<1x16x50x32xf32, #tpu.memory_space<vmem>>
      %dma_start3A_402 = tpu.memref_squeeze %dma_start3A_401 : memref<1x16x50x32xf32, #tpu.memory_space<vmem>> -> memref<16x50x32xf32, #tpu.memory_space<vmem>>
      %dma_start3A_403 = arith.constant 0 : i32
      %dma_start3A_404 = arith.constant 0 : i32
      %dma_start3A_405 = tpu.memref_slice %dma_start3A_402[%dma_start3A_397, %dma_start3A_403, %dma_start3A_404] : memref<16x50x32xf32, #tpu.memory_space<vmem>> -> memref<1x50x32xf32, #tpu.memory_space<vmem>>
      %dma_start3A_406 = tpu.memref_squeeze %dma_start3A_405 : memref<1x50x32xf32, #tpu.memory_space<vmem>> -> memref<50x32xf32, #tpu.memory_space<vmem>>
      %dma_start3A_407 = arith.constant 0 : i32
      %dma_start3A_408 = arith.constant 0 : i32
      %dma_start3A_409 = tpu.memref_slice %arg5[%rem3A_63, %dma_start3A_407, %dma_start3A_408] : memref<2x16x50xi32, #tpu.memory_space<vmem>> -> memref<1x16x50xi32, #tpu.memory_space<vmem>>
      %dma_start3A_410 = tpu.memref_squeeze %dma_start3A_409 : memref<1x16x50xi32, #tpu.memory_space<vmem>> -> memref<16x50xi32, #tpu.memory_space<vmem>>
      %dma_start3A_411 = arith.constant 0 : i32
      %dma_start3A_412 = tpu.memref_slice %dma_start3A_410[%dma_start3A_396, %dma_start3A_411] : memref<16x50xi32, #tpu.memory_space<vmem>> -> memref<1x50xi32, #tpu.memory_space<vmem>>
      %dma_start3A_413 = tpu.memref_squeeze %dma_start3A_412 : memref<1x50xi32, #tpu.memory_space<vmem>> -> memref<50xi32, #tpu.memory_space<vmem>>
      %dma_start3A_414 = arith.constant 0 : i32
      %dma_start3A_415 = arith.constant 0 : i32
      %dma_start3A_416 = tpu.memref_slice %arg3[%dma_start3A_414, %dma_start3A_415] : memref<1000000x32xf32, #tpu.memory_space<hbm>> -> memref<1000000x32xf32, #tpu.memory_space<hbm>>
      tpu.enqueue_indirect_dma source(%dma_start3A_416 : memref<1000000x32xf32, #tpu.memory_space<hbm>>) target(%dma_start3A_406 : memref<50x32xf32, #tpu.memory_space<vmem>>) offsets(%dma_start3A_413 : memref<50xi32, #tpu.memory_space<vmem>>) semaphore(%arg8 : memref<!tpu.dma_semaphore, #tpu.memory_space<semaphore_mem>>)
      %add3A_417 = arith.constant 1 : i32
      %add3A_418 = arith.addi %add3A_62, %add3A_417 : i32
      %lt3A = arith.constant 32 : i32
      %lt3A_419 = arith.cmpi slt, %add3A_418, %lt3A : i32
      %convert_element_type3A_420 = arith.extui %lt3A_419 : i1 to i32
      %cond3A_421 = arith.constant 0 : i32
      %cond3A_422 = arith.cmpi ne, %convert_element_type3A_420, %cond3A_421 : i32
      scf.if %cond3A_422 {
        %add3A_778 = arith.constant 1 : i32
        %add3A_779 = arith.addi %add3A_62, %add3A_778 : i32
        %sub3A = arith.constant 1 : i32
        %sub3A_780 = arith.subi %sub3A, %rem3A_63 : i32
        %mul3A_781 = arith.constant 16 : i32
        %mul3A_782 = arith.muli %add3A_779, %mul3A_781 : i32
        %add3A_783 = arith.addi %mul3A_2, %mul3A_782 : i32
        %dma_start3A_784 = arith.constant 0 : i32
        %dma_start3A_785 = arith.constant 0 : i32
        %dma_start3A_786 = tpu.memref_slice %arg5[%sub3A_780, %dma_start3A_784, %dma_start3A_785] : memref<2x16x50xi32, #tpu.memory_space<vmem>> -> memref<1x16x50xi32, #tpu.memory_space<vmem>>
        %dma_start3A_787 = tpu.memref_squeeze %dma_start3A_786 : memref<1x16x50xi32, #tpu.memory_space<vmem>> -> memref<16x50xi32, #tpu.memory_space<vmem>>
        %dma_start3A_788 = arith.constant 0 : i32
        %dma_start3A_789 = tpu.memref_slice %arg2[%add3A_783, %dma_start3A_788] : memref<16384x50xi32, #tpu.memory_space<hbm>> -> memref<16x50xi32, #tpu.memory_space<hbm>>
        %dma_start3A_790 = arith.constant 0 : i32
        %dma_start3A_791 = arith.constant 0 : i32
        %dma_start3A_792 = tpu.memref_slice %arg5[%sub3A_780, %dma_start3A_790, %dma_start3A_791] : memref<2x16x50xi32, #tpu.memory_space<vmem>> -> memref<1x16x50xi32, #tpu.memory_space<vmem>>
        %dma_start3A_793 = tpu.memref_squeeze %dma_start3A_792 : memref<1x16x50xi32, #tpu.memory_space<vmem>> -> memref<16x50xi32, #tpu.memory_space<vmem>>
        %dma_start3A_794 = arith.constant 0 : i32
        %dma_start3A_795 = tpu.memref_slice %arg2[%add3A_783, %dma_start3A_794] : memref<16384x50xi32, #tpu.memory_space<hbm>> -> memref<16x50xi32, #tpu.memory_space<hbm>>
        tpu.enqueue_dma source(%dma_start3A_795 : memref<16x50xi32, #tpu.memory_space<hbm>>) target(%dma_start3A_793 : memref<16x50xi32, #tpu.memory_space<vmem>>) target_semaphore(%arg7 : memref<!tpu.dma_semaphore, #tpu.memory_space<semaphore_mem>>)
      } else {
      }
      %dma_wait3A_423 = arith.constant 0 : i32
      %dma_wait3A_424 = arith.constant 0 : i32
      %dma_wait3A_425 = arith.constant 0 : i32
      %dma_wait3A_426 = arith.constant 0 : i32
      %dma_wait3A_427 = arith.constant 0 : i32
      %dma_wait3A_428 = tpu.memref_slice %arg6[%rem3A_63, %dma_wait3A_425, %dma_wait3A_426, %dma_wait3A_427] : memref<2x16x50x32xf32, #tpu.memory_space<vmem>> -> memref<1x16x50x32xf32, #tpu.memory_space<vmem>>
      %dma_wait3A_429 = tpu.memref_squeeze %dma_wait3A_428 : memref<1x16x50x32xf32, #tpu.memory_space<vmem>> -> memref<16x50x32xf32, #tpu.memory_space<vmem>>
      %dma_wait3A_430 = arith.constant 0 : i32
      %dma_wait3A_431 = arith.constant 0 : i32
      %dma_wait3A_432 = tpu.memref_slice %dma_wait3A_429[%dma_wait3A_424, %dma_wait3A_430, %dma_wait3A_431] : memref<16x50x32xf32, #tpu.memory_space<vmem>> -> memref<1x50x32xf32, #tpu.memory_space<vmem>>
      %dma_wait3A_433 = tpu.memref_squeeze %dma_wait3A_432 : memref<1x50x32xf32, #tpu.memory_space<vmem>> -> memref<50x32xf32, #tpu.memory_space<vmem>>
      %dma_wait3A_434 = arith.constant 0 : i32
      %dma_wait3A_435 = arith.constant 0 : i32
      %dma_wait3A_436 = tpu.memref_slice %arg5[%rem3A_63, %dma_wait3A_434, %dma_wait3A_435] : memref<2x16x50xi32, #tpu.memory_space<vmem>> -> memref<1x16x50xi32, #tpu.memory_space<vmem>>
      %dma_wait3A_437 = tpu.memref_squeeze %dma_wait3A_436 : memref<1x16x50xi32, #tpu.memory_space<vmem>> -> memref<16x50xi32, #tpu.memory_space<vmem>>
      %dma_wait3A_438 = arith.constant 0 : i32
      %dma_wait3A_439 = tpu.memref_slice %dma_wait3A_437[%dma_wait3A_423, %dma_wait3A_438] : memref<16x50xi32, #tpu.memory_space<vmem>> -> memref<1x50xi32, #tpu.memory_space<vmem>>
      %dma_wait3A_440 = tpu.memref_squeeze %dma_wait3A_439 : memref<1x50xi32, #tpu.memory_space<vmem>> -> memref<50xi32, #tpu.memory_space<vmem>>
      %dma_wait3A_441 = arith.constant 0 : i32
      %dma_wait3A_442 = arith.constant 0 : i32
      %dma_wait3A_443 = tpu.memref_slice %arg3[%dma_wait3A_441, %dma_wait3A_442] : memref<1000000x32xf32, #tpu.memory_space<hbm>> -> memref<1000000x32xf32, #tpu.memory_space<hbm>>
      tpu.wait_indirect_dma semaphore(%arg8 : memref<!tpu.dma_semaphore, #tpu.memory_space<semaphore_mem>>) src(%dma_wait3A_443 : memref<1000000x32xf32, #tpu.memory_space<hbm>>) dst(%dma_wait3A_433 : memref<50x32xf32, #tpu.memory_space<vmem>>)
      %dma_wait3A_444 = arith.constant 1 : i32
      %dma_wait3A_445 = arith.constant 1 : i32
      %dma_wait3A_446 = arith.constant 0 : i32
      %dma_wait3A_447 = arith.constant 0 : i32
      %dma_wait3A_448 = arith.constant 0 : i32
      %dma_wait3A_449 = tpu.memref_slice %arg6[%rem3A_63, %dma_wait3A_446, %dma_wait3A_447, %dma_wait3A_448] : memref<2x16x50x32xf32, #tpu.memory_space<vmem>> -> memref<1x16x50x32xf32, #tpu.memory_space<vmem>>
      %dma_wait3A_450 = tpu.memref_squeeze %dma_wait3A_449 : memref<1x16x50x32xf32, #tpu.memory_space<vmem>> -> memref<16x50x32xf32, #tpu.memory_space<vmem>>
      %dma_wait3A_451 = arith.constant 0 : i32
      %dma_wait3A_452 = arith.constant 0 : i32
      %dma_wait3A_453 = tpu.memref_slice %dma_wait3A_450[%dma_wait3A_445, %dma_wait3A_451, %dma_wait3A_452] : memref<16x50x32xf32, #tpu.memory_space<vmem>> -> memref<1x50x32xf32, #tpu.memory_space<vmem>>
      %dma_wait3A_454 = tpu.memref_squeeze %dma_wait3A_453 : memref<1x50x32xf32, #tpu.memory_space<vmem>> -> memref<50x32xf32, #tpu.memory_space<vmem>>
      %dma_wait3A_455 = arith.constant 0 : i32
      %dma_wait3A_456 = arith.constant 0 : i32
      %dma_wait3A_457 = tpu.memref_slice %arg5[%rem3A_63, %dma_wait3A_455, %dma_wait3A_456] : memref<2x16x50xi32, #tpu.memory_space<vmem>> -> memref<1x16x50xi32, #tpu.memory_space<vmem>>
      %dma_wait3A_458 = tpu.memref_squeeze %dma_wait3A_457 : memref<1x16x50xi32, #tpu.memory_space<vmem>> -> memref<16x50xi32, #tpu.memory_space<vmem>>
      %dma_wait3A_459 = arith.constant 0 : i32
      %dma_wait3A_460 = tpu.memref_slice %dma_wait3A_458[%dma_wait3A_444, %dma_wait3A_459] : memref<16x50xi32, #tpu.memory_space<vmem>> -> memref<1x50xi32, #tpu.memory_space<vmem>>
      %dma_wait3A_461 = tpu.memref_squeeze %dma_wait3A_460 : memref<1x50xi32, #tpu.memory_space<vmem>> -> memref<50xi32, #tpu.memory_space<vmem>>
      %dma_wait3A_462 = arith.constant 0 : i32
      %dma_wait3A_463 = arith.constant 0 : i32
      %dma_wait3A_464 = tpu.memref_slice %arg3[%dma_wait3A_462, %dma_wait3A_463] : memref<1000000x32xf32, #tpu.memory_space<hbm>> -> memref<1000000x32xf32, #tpu.memory_space<hbm>>
      tpu.wait_indirect_dma semaphore(%arg8 : memref<!tpu.dma_semaphore, #tpu.memory_space<semaphore_mem>>) src(%dma_wait3A_464 : memref<1000000x32xf32, #tpu.memory_space<hbm>>) dst(%dma_wait3A_454 : memref<50x32xf32, #tpu.memory_space<vmem>>)
      %dma_wait3A_465 = arith.constant 2 : i32
      %dma_wait3A_466 = arith.constant 2 : i32
      %dma_wait3A_467 = arith.constant 0 : i32
      %dma_wait3A_468 = arith.constant 0 : i32
      %dma_wait3A_469 = arith.constant 0 : i32
      %dma_wait3A_470 = tpu.memref_slice %arg6[%rem3A_63, %dma_wait3A_467, %dma_wait3A_468, %dma_wait3A_469] : memref<2x16x50x32xf32, #tpu.memory_space<vmem>> -> memref<1x16x50x32xf32, #tpu.memory_space<vmem>>
      %dma_wait3A_471 = tpu.memref_squeeze %dma_wait3A_470 : memref<1x16x50x32xf32, #tpu.memory_space<vmem>> -> memref<16x50x32xf32, #tpu.memory_space<vmem>>
      %dma_wait3A_472 = arith.constant 0 : i32
      %dma_wait3A_473 = arith.constant 0 : i32
      %dma_wait3A_474 = tpu.memref_slice %dma_wait3A_471[%dma_wait3A_466, %dma_wait3A_472, %dma_wait3A_473] : memref<16x50x32xf32, #tpu.memory_space<vmem>> -> memref<1x50x32xf32, #tpu.memory_space<vmem>>
      %dma_wait3A_475 = tpu.memref_squeeze %dma_wait3A_474 : memref<1x50x32xf32, #tpu.memory_space<vmem>> -> memref<50x32xf32, #tpu.memory_space<vmem>>
      %dma_wait3A_476 = arith.constant 0 : i32
      %dma_wait3A_477 = arith.constant 0 : i32
      %dma_wait3A_478 = tpu.memref_slice %arg5[%rem3A_63, %dma_wait3A_476, %dma_wait3A_477] : memref<2x16x50xi32, #tpu.memory_space<vmem>> -> memref<1x16x50xi32, #tpu.memory_space<vmem>>
      %dma_wait3A_479 = tpu.memref_squeeze %dma_wait3A_478 : memref<1x16x50xi32, #tpu.memory_space<vmem>> -> memref<16x50xi32, #tpu.memory_space<vmem>>
      %dma_wait3A_480 = arith.constant 0 : i32
      %dma_wait3A_481 = tpu.memref_slice %dma_wait3A_479[%dma_wait3A_465, %dma_wait3A_480] : memref<16x50xi32, #tpu.memory_space<vmem>> -> memref<1x50xi32, #tpu.memory_space<vmem>>
      %dma_wait3A_482 = tpu.memref_squeeze %dma_wait3A_481 : memref<1x50xi32, #tpu.memory_space<vmem>> -> memref<50xi32, #tpu.memory_space<vmem>>
      %dma_wait3A_483 = arith.constant 0 : i32
      %dma_wait3A_484 = arith.constant 0 : i32
      %dma_wait3A_485 = tpu.memref_slice %arg3[%dma_wait3A_483, %dma_wait3A_484] : memref<1000000x32xf32, #tpu.memory_space<hbm>> -> memref<1000000x32xf32, #tpu.memory_space<hbm>>
      tpu.wait_indirect_dma semaphore(%arg8 : memref<!tpu.dma_semaphore, #tpu.memory_space<semaphore_mem>>) src(%dma_wait3A_485 : memref<1000000x32xf32, #tpu.memory_space<hbm>>) dst(%dma_wait3A_475 : memref<50x32xf32, #tpu.memory_space<vmem>>)
      %dma_wait3A_486 = arith.constant 3 : i32
      %dma_wait3A_487 = arith.constant 3 : i32
      %dma_wait3A_488 = arith.constant 0 : i32
      %dma_wait3A_489 = arith.constant 0 : i32
      %dma_wait3A_490 = arith.constant 0 : i32
      %dma_wait3A_491 = tpu.memref_slice %arg6[%rem3A_63, %dma_wait3A_488, %dma_wait3A_489, %dma_wait3A_490] : memref<2x16x50x32xf32, #tpu.memory_space<vmem>> -> memref<1x16x50x32xf32, #tpu.memory_space<vmem>>
      %dma_wait3A_492 = tpu.memref_squeeze %dma_wait3A_491 : memref<1x16x50x32xf32, #tpu.memory_space<vmem>> -> memref<16x50x32xf32, #tpu.memory_space<vmem>>
      %dma_wait3A_493 = arith.constant 0 : i32
      %dma_wait3A_494 = arith.constant 0 : i32
      %dma_wait3A_495 = tpu.memref_slice %dma_wait3A_492[%dma_wait3A_487, %dma_wait3A_493, %dma_wait3A_494] : memref<16x50x32xf32, #tpu.memory_space<vmem>> -> memref<1x50x32xf32, #tpu.memory_space<vmem>>
      %dma_wait3A_496 = tpu.memref_squeeze %dma_wait3A_495 : memref<1x50x32xf32, #tpu.memory_space<vmem>> -> memref<50x32xf32, #tpu.memory_space<vmem>>
      %dma_wait3A_497 = arith.constant 0 : i32
      %dma_wait3A_498 = arith.constant 0 : i32
      %dma_wait3A_499 = tpu.memref_slice %arg5[%rem3A_63, %dma_wait3A_497, %dma_wait3A_498] : memref<2x16x50xi32, #tpu.memory_space<vmem>> -> memref<1x16x50xi32, #tpu.memory_space<vmem>>
      %dma_wait3A_500 = tpu.memref_squeeze %dma_wait3A_499 : memref<1x16x50xi32, #tpu.memory_space<vmem>> -> memref<16x50xi32, #tpu.memory_space<vmem>>
      %dma_wait3A_501 = arith.constant 0 : i32
      %dma_wait3A_502 = tpu.memref_slice %dma_wait3A_500[%dma_wait3A_486, %dma_wait3A_501] : memref<16x50xi32, #tpu.memory_space<vmem>> -> memref<1x50xi32, #tpu.memory_space<vmem>>
      %dma_wait3A_503 = tpu.memref_squeeze %dma_wait3A_502 : memref<1x50xi32, #tpu.memory_space<vmem>> -> memref<50xi32, #tpu.memory_space<vmem>>
      %dma_wait3A_504 = arith.constant 0 : i32
      %dma_wait3A_505 = arith.constant 0 : i32
      %dma_wait3A_506 = tpu.memref_slice %arg3[%dma_wait3A_504, %dma_wait3A_505] : memref<1000000x32xf32, #tpu.memory_space<hbm>> -> memref<1000000x32xf32, #tpu.memory_space<hbm>>
      tpu.wait_indirect_dma semaphore(%arg8 : memref<!tpu.dma_semaphore, #tpu.memory_space<semaphore_mem>>) src(%dma_wait3A_506 : memref<1000000x32xf32, #tpu.memory_space<hbm>>) dst(%dma_wait3A_496 : memref<50x32xf32, #tpu.memory_space<vmem>>)
      %dma_wait3A_507 = arith.constant 4 : i32
      %dma_wait3A_508 = arith.constant 4 : i32
      %dma_wait3A_509 = arith.constant 0 : i32
      %dma_wait3A_510 = arith.constant 0 : i32
      %dma_wait3A_511 = arith.constant 0 : i32
      %dma_wait3A_512 = tpu.memref_slice %arg6[%rem3A_63, %dma_wait3A_509, %dma_wait3A_510, %dma_wait3A_511] : memref<2x16x50x32xf32, #tpu.memory_space<vmem>> -> memref<1x16x50x32xf32, #tpu.memory_space<vmem>>
      %dma_wait3A_513 = tpu.memref_squeeze %dma_wait3A_512 : memref<1x16x50x32xf32, #tpu.memory_space<vmem>> -> memref<16x50x32xf32, #tpu.memory_space<vmem>>
      %dma_wait3A_514 = arith.constant 0 : i32
      %dma_wait3A_515 = arith.constant 0 : i32
      %dma_wait3A_516 = tpu.memref_slice %dma_wait3A_513[%dma_wait3A_508, %dma_wait3A_514, %dma_wait3A_515] : memref<16x50x32xf32, #tpu.memory_space<vmem>> -> memref<1x50x32xf32, #tpu.memory_space<vmem>>
      %dma_wait3A_517 = tpu.memref_squeeze %dma_wait3A_516 : memref<1x50x32xf32, #tpu.memory_space<vmem>> -> memref<50x32xf32, #tpu.memory_space<vmem>>
      %dma_wait3A_518 = arith.constant 0 : i32
      %dma_wait3A_519 = arith.constant 0 : i32
      %dma_wait3A_520 = tpu.memref_slice %arg5[%rem3A_63, %dma_wait3A_518, %dma_wait3A_519] : memref<2x16x50xi32, #tpu.memory_space<vmem>> -> memref<1x16x50xi32, #tpu.memory_space<vmem>>
      %dma_wait3A_521 = tpu.memref_squeeze %dma_wait3A_520 : memref<1x16x50xi32, #tpu.memory_space<vmem>> -> memref<16x50xi32, #tpu.memory_space<vmem>>
      %dma_wait3A_522 = arith.constant 0 : i32
      %dma_wait3A_523 = tpu.memref_slice %dma_wait3A_521[%dma_wait3A_507, %dma_wait3A_522] : memref<16x50xi32, #tpu.memory_space<vmem>> -> memref<1x50xi32, #tpu.memory_space<vmem>>
      %dma_wait3A_524 = tpu.memref_squeeze %dma_wait3A_523 : memref<1x50xi32, #tpu.memory_space<vmem>> -> memref<50xi32, #tpu.memory_space<vmem>>
      %dma_wait3A_525 = arith.constant 0 : i32
      %dma_wait3A_526 = arith.constant 0 : i32
      %dma_wait3A_527 = tpu.memref_slice %arg3[%dma_wait3A_525, %dma_wait3A_526] : memref<1000000x32xf32, #tpu.memory_space<hbm>> -> memref<1000000x32xf32, #tpu.memory_space<hbm>>
      tpu.wait_indirect_dma semaphore(%arg8 : memref<!tpu.dma_semaphore, #tpu.memory_space<semaphore_mem>>) src(%dma_wait3A_527 : memref<1000000x32xf32, #tpu.memory_space<hbm>>) dst(%dma_wait3A_517 : memref<50x32xf32, #tpu.memory_space<vmem>>)
      %dma_wait3A_528 = arith.constant 5 : i32
      %dma_wait3A_529 = arith.constant 5 : i32
      %dma_wait3A_530 = arith.constant 0 : i32
      %dma_wait3A_531 = arith.constant 0 : i32
      %dma_wait3A_532 = arith.constant 0 : i32
      %dma_wait3A_533 = tpu.memref_slice %arg6[%rem3A_63, %dma_wait3A_530, %dma_wait3A_531, %dma_wait3A_532] : memref<2x16x50x32xf32, #tpu.memory_space<vmem>> -> memref<1x16x50x32xf32, #tpu.memory_space<vmem>>
      %dma_wait3A_534 = tpu.memref_squeeze %dma_wait3A_533 : memref<1x16x50x32xf32, #tpu.memory_space<vmem>> -> memref<16x50x32xf32, #tpu.memory_space<vmem>>
      %dma_wait3A_535 = arith.constant 0 : i32
      %dma_wait3A_536 = arith.constant 0 : i32
      %dma_wait3A_537 = tpu.memref_slice %dma_wait3A_534[%dma_wait3A_529, %dma_wait3A_535, %dma_wait3A_536] : memref<16x50x32xf32, #tpu.memory_space<vmem>> -> memref<1x50x32xf32, #tpu.memory_space<vmem>>
      %dma_wait3A_538 = tpu.memref_squeeze %dma_wait3A_537 : memref<1x50x32xf32, #tpu.memory_space<vmem>> -> memref<50x32xf32, #tpu.memory_space<vmem>>
      %dma_wait3A_539 = arith.constant 0 : i32
      %dma_wait3A_540 = arith.constant 0 : i32
      %dma_wait3A_541 = tpu.memref_slice %arg5[%rem3A_63, %dma_wait3A_539, %dma_wait3A_540] : memref<2x16x50xi32, #tpu.memory_space<vmem>> -> memref<1x16x50xi32, #tpu.memory_space<vmem>>
      %dma_wait3A_542 = tpu.memref_squeeze %dma_wait3A_541 : memref<1x16x50xi32, #tpu.memory_space<vmem>> -> memref<16x50xi32, #tpu.memory_space<vmem>>
      %dma_wait3A_543 = arith.constant 0 : i32
      %dma_wait3A_544 = tpu.memref_slice %dma_wait3A_542[%dma_wait3A_528, %dma_wait3A_543] : memref<16x50xi32, #tpu.memory_space<vmem>> -> memref<1x50xi32, #tpu.memory_space<vmem>>
      %dma_wait3A_545 = tpu.memref_squeeze %dma_wait3A_544 : memref<1x50xi32, #tpu.memory_space<vmem>> -> memref<50xi32, #tpu.memory_space<vmem>>
      %dma_wait3A_546 = arith.constant 0 : i32
      %dma_wait3A_547 = arith.constant 0 : i32
      %dma_wait3A_548 = tpu.memref_slice %arg3[%dma_wait3A_546, %dma_wait3A_547] : memref<1000000x32xf32, #tpu.memory_space<hbm>> -> memref<1000000x32xf32, #tpu.memory_space<hbm>>
      tpu.wait_indirect_dma semaphore(%arg8 : memref<!tpu.dma_semaphore, #tpu.memory_space<semaphore_mem>>) src(%dma_wait3A_548 : memref<1000000x32xf32, #tpu.memory_space<hbm>>) dst(%dma_wait3A_538 : memref<50x32xf32, #tpu.memory_space<vmem>>)
      %dma_wait3A_549 = arith.constant 6 : i32
      %dma_wait3A_550 = arith.constant 6 : i32
      %dma_wait3A_551 = arith.constant 0 : i32
      %dma_wait3A_552 = arith.constant 0 : i32
      %dma_wait3A_553 = arith.constant 0 : i32
      %dma_wait3A_554 = tpu.memref_slice %arg6[%rem3A_63, %dma_wait3A_551, %dma_wait3A_552, %dma_wait3A_553] : memref<2x16x50x32xf32, #tpu.memory_space<vmem>> -> memref<1x16x50x32xf32, #tpu.memory_space<vmem>>
      %dma_wait3A_555 = tpu.memref_squeeze %dma_wait3A_554 : memref<1x16x50x32xf32, #tpu.memory_space<vmem>> -> memref<16x50x32xf32, #tpu.memory_space<vmem>>
      %dma_wait3A_556 = arith.constant 0 : i32
      %dma_wait3A_557 = arith.constant 0 : i32
      %dma_wait3A_558 = tpu.memref_slice %dma_wait3A_555[%dma_wait3A_550, %dma_wait3A_556, %dma_wait3A_557] : memref<16x50x32xf32, #tpu.memory_space<vmem>> -> memref<1x50x32xf32, #tpu.memory_space<vmem>>
      %dma_wait3A_559 = tpu.memref_squeeze %dma_wait3A_558 : memref<1x50x32xf32, #tpu.memory_space<vmem>> -> memref<50x32xf32, #tpu.memory_space<vmem>>
      %dma_wait3A_560 = arith.constant 0 : i32
      %dma_wait3A_561 = arith.constant 0 : i32
      %dma_wait3A_562 = tpu.memref_slice %arg5[%rem3A_63, %dma_wait3A_560, %dma_wait3A_561] : memref<2x16x50xi32, #tpu.memory_space<vmem>> -> memref<1x16x50xi32, #tpu.memory_space<vmem>>
      %dma_wait3A_563 = tpu.memref_squeeze %dma_wait3A_562 : memref<1x16x50xi32, #tpu.memory_space<vmem>> -> memref<16x50xi32, #tpu.memory_space<vmem>>
      %dma_wait3A_564 = arith.constant 0 : i32
      %dma_wait3A_565 = tpu.memref_slice %dma_wait3A_563[%dma_wait3A_549, %dma_wait3A_564] : memref<16x50xi32, #tpu.memory_space<vmem>> -> memref<1x50xi32, #tpu.memory_space<vmem>>
      %dma_wait3A_566 = tpu.memref_squeeze %dma_wait3A_565 : memref<1x50xi32, #tpu.memory_space<vmem>> -> memref<50xi32, #tpu.memory_space<vmem>>
      %dma_wait3A_567 = arith.constant 0 : i32
      %dma_wait3A_568 = arith.constant 0 : i32
      %dma_wait3A_569 = tpu.memref_slice %arg3[%dma_wait3A_567, %dma_wait3A_568] : memref<1000000x32xf32, #tpu.memory_space<hbm>> -> memref<1000000x32xf32, #tpu.memory_space<hbm>>
      tpu.wait_indirect_dma semaphore(%arg8 : memref<!tpu.dma_semaphore, #tpu.memory_space<semaphore_mem>>) src(%dma_wait3A_569 : memref<1000000x32xf32, #tpu.memory_space<hbm>>) dst(%dma_wait3A_559 : memref<50x32xf32, #tpu.memory_space<vmem>>)
      %dma_wait3A_570 = arith.constant 7 : i32
      %dma_wait3A_571 = arith.constant 7 : i32
      %dma_wait3A_572 = arith.constant 0 : i32
      %dma_wait3A_573 = arith.constant 0 : i32
      %dma_wait3A_574 = arith.constant 0 : i32
      %dma_wait3A_575 = tpu.memref_slice %arg6[%rem3A_63, %dma_wait3A_572, %dma_wait3A_573, %dma_wait3A_574] : memref<2x16x50x32xf32, #tpu.memory_space<vmem>> -> memref<1x16x50x32xf32, #tpu.memory_space<vmem>>
      %dma_wait3A_576 = tpu.memref_squeeze %dma_wait3A_575 : memref<1x16x50x32xf32, #tpu.memory_space<vmem>> -> memref<16x50x32xf32, #tpu.memory_space<vmem>>
      %dma_wait3A_577 = arith.constant 0 : i32
      %dma_wait3A_578 = arith.constant 0 : i32
      %dma_wait3A_579 = tpu.memref_slice %dma_wait3A_576[%dma_wait3A_571, %dma_wait3A_577, %dma_wait3A_578] : memref<16x50x32xf32, #tpu.memory_space<vmem>> -> memref<1x50x32xf32, #tpu.memory_space<vmem>>
      %dma_wait3A_580 = tpu.memref_squeeze %dma_wait3A_579 : memref<1x50x32xf32, #tpu.memory_space<vmem>> -> memref<50x32xf32, #tpu.memory_space<vmem>>
      %dma_wait3A_581 = arith.constant 0 : i32
      %dma_wait3A_582 = arith.constant 0 : i32
      %dma_wait3A_583 = tpu.memref_slice %arg5[%rem3A_63, %dma_wait3A_581, %dma_wait3A_582] : memref<2x16x50xi32, #tpu.memory_space<vmem>> -> memref<1x16x50xi32, #tpu.memory_space<vmem>>
      %dma_wait3A_584 = tpu.memref_squeeze %dma_wait3A_583 : memref<1x16x50xi32, #tpu.memory_space<vmem>> -> memref<16x50xi32, #tpu.memory_space<vmem>>
      %dma_wait3A_585 = arith.constant 0 : i32
      %dma_wait3A_586 = tpu.memref_slice %dma_wait3A_584[%dma_wait3A_570, %dma_wait3A_585] : memref<16x50xi32, #tpu.memory_space<vmem>> -> memref<1x50xi32, #tpu.memory_space<vmem>>
      %dma_wait3A_587 = tpu.memref_squeeze %dma_wait3A_586 : memref<1x50xi32, #tpu.memory_space<vmem>> -> memref<50xi32, #tpu.memory_space<vmem>>
      %dma_wait3A_588 = arith.constant 0 : i32
      %dma_wait3A_589 = arith.constant 0 : i32
      %dma_wait3A_590 = tpu.memref_slice %arg3[%dma_wait3A_588, %dma_wait3A_589] : memref<1000000x32xf32, #tpu.memory_space<hbm>> -> memref<1000000x32xf32, #tpu.memory_space<hbm>>
      tpu.wait_indirect_dma semaphore(%arg8 : memref<!tpu.dma_semaphore, #tpu.memory_space<semaphore_mem>>) src(%dma_wait3A_590 : memref<1000000x32xf32, #tpu.memory_space<hbm>>) dst(%dma_wait3A_580 : memref<50x32xf32, #tpu.memory_space<vmem>>)
      %dma_wait3A_591 = arith.constant 8 : i32
      %dma_wait3A_592 = arith.constant 8 : i32
      %dma_wait3A_593 = arith.constant 0 : i32
      %dma_wait3A_594 = arith.constant 0 : i32
      %dma_wait3A_595 = arith.constant 0 : i32
      %dma_wait3A_596 = tpu.memref_slice %arg6[%rem3A_63, %dma_wait3A_593, %dma_wait3A_594, %dma_wait3A_595] : memref<2x16x50x32xf32, #tpu.memory_space<vmem>> -> memref<1x16x50x32xf32, #tpu.memory_space<vmem>>
      %dma_wait3A_597 = tpu.memref_squeeze %dma_wait3A_596 : memref<1x16x50x32xf32, #tpu.memory_space<vmem>> -> memref<16x50x32xf32, #tpu.memory_space<vmem>>
      %dma_wait3A_598 = arith.constant 0 : i32
      %dma_wait3A_599 = arith.constant 0 : i32
      %dma_wait3A_600 = tpu.memref_slice %dma_wait3A_597[%dma_wait3A_592, %dma_wait3A_598, %dma_wait3A_599] : memref<16x50x32xf32, #tpu.memory_space<vmem>> -> memref<1x50x32xf32, #tpu.memory_space<vmem>>
      %dma_wait3A_601 = tpu.memref_squeeze %dma_wait3A_600 : memref<1x50x32xf32, #tpu.memory_space<vmem>> -> memref<50x32xf32, #tpu.memory_space<vmem>>
      %dma_wait3A_602 = arith.constant 0 : i32
      %dma_wait3A_603 = arith.constant 0 : i32
      %dma_wait3A_604 = tpu.memref_slice %arg5[%rem3A_63, %dma_wait3A_602, %dma_wait3A_603] : memref<2x16x50xi32, #tpu.memory_space<vmem>> -> memref<1x16x50xi32, #tpu.memory_space<vmem>>
      %dma_wait3A_605 = tpu.memref_squeeze %dma_wait3A_604 : memref<1x16x50xi32, #tpu.memory_space<vmem>> -> memref<16x50xi32, #tpu.memory_space<vmem>>
      %dma_wait3A_606 = arith.constant 0 : i32
      %dma_wait3A_607 = tpu.memref_slice %dma_wait3A_605[%dma_wait3A_591, %dma_wait3A_606] : memref<16x50xi32, #tpu.memory_space<vmem>> -> memref<1x50xi32, #tpu.memory_space<vmem>>
      %dma_wait3A_608 = tpu.memref_squeeze %dma_wait3A_607 : memref<1x50xi32, #tpu.memory_space<vmem>> -> memref<50xi32, #tpu.memory_space<vmem>>
      %dma_wait3A_609 = arith.constant 0 : i32
      %dma_wait3A_610 = arith.constant 0 : i32
      %dma_wait3A_611 = tpu.memref_slice %arg3[%dma_wait3A_609, %dma_wait3A_610] : memref<1000000x32xf32, #tpu.memory_space<hbm>> -> memref<1000000x32xf32, #tpu.memory_space<hbm>>
      tpu.wait_indirect_dma semaphore(%arg8 : memref<!tpu.dma_semaphore, #tpu.memory_space<semaphore_mem>>) src(%dma_wait3A_611 : memref<1000000x32xf32, #tpu.memory_space<hbm>>) dst(%dma_wait3A_601 : memref<50x32xf32, #tpu.memory_space<vmem>>)
      %dma_wait3A_612 = arith.constant 9 : i32
      %dma_wait3A_613 = arith.constant 9 : i32
      %dma_wait3A_614 = arith.constant 0 : i32
      %dma_wait3A_615 = arith.constant 0 : i32
      %dma_wait3A_616 = arith.constant 0 : i32
      %dma_wait3A_617 = tpu.memref_slice %arg6[%rem3A_63, %dma_wait3A_614, %dma_wait3A_615, %dma_wait3A_616] : memref<2x16x50x32xf32, #tpu.memory_space<vmem>> -> memref<1x16x50x32xf32, #tpu.memory_space<vmem>>
      %dma_wait3A_618 = tpu.memref_squeeze %dma_wait3A_617 : memref<1x16x50x32xf32, #tpu.memory_space<vmem>> -> memref<16x50x32xf32, #tpu.memory_space<vmem>>
      %dma_wait3A_619 = arith.constant 0 : i32
      %dma_wait3A_620 = arith.constant 0 : i32
      %dma_wait3A_621 = tpu.memref_slice %dma_wait3A_618[%dma_wait3A_613, %dma_wait3A_619, %dma_wait3A_620] : memref<16x50x32xf32, #tpu.memory_space<vmem>> -> memref<1x50x32xf32, #tpu.memory_space<vmem>>
      %dma_wait3A_622 = tpu.memref_squeeze %dma_wait3A_621 : memref<1x50x32xf32, #tpu.memory_space<vmem>> -> memref<50x32xf32, #tpu.memory_space<vmem>>
      %dma_wait3A_623 = arith.constant 0 : i32
      %dma_wait3A_624 = arith.constant 0 : i32
      %dma_wait3A_625 = tpu.memref_slice %arg5[%rem3A_63, %dma_wait3A_623, %dma_wait3A_624] : memref<2x16x50xi32, #tpu.memory_space<vmem>> -> memref<1x16x50xi32, #tpu.memory_space<vmem>>
      %dma_wait3A_626 = tpu.memref_squeeze %dma_wait3A_625 : memref<1x16x50xi32, #tpu.memory_space<vmem>> -> memref<16x50xi32, #tpu.memory_space<vmem>>
      %dma_wait3A_627 = arith.constant 0 : i32
      %dma_wait3A_628 = tpu.memref_slice %dma_wait3A_626[%dma_wait3A_612, %dma_wait3A_627] : memref<16x50xi32, #tpu.memory_space<vmem>> -> memref<1x50xi32, #tpu.memory_space<vmem>>
      %dma_wait3A_629 = tpu.memref_squeeze %dma_wait3A_628 : memref<1x50xi32, #tpu.memory_space<vmem>> -> memref<50xi32, #tpu.memory_space<vmem>>
      %dma_wait3A_630 = arith.constant 0 : i32
      %dma_wait3A_631 = arith.constant 0 : i32
      %dma_wait3A_632 = tpu.memref_slice %arg3[%dma_wait3A_630, %dma_wait3A_631] : memref<1000000x32xf32, #tpu.memory_space<hbm>> -> memref<1000000x32xf32, #tpu.memory_space<hbm>>
      tpu.wait_indirect_dma semaphore(%arg8 : memref<!tpu.dma_semaphore, #tpu.memory_space<semaphore_mem>>) src(%dma_wait3A_632 : memref<1000000x32xf32, #tpu.memory_space<hbm>>) dst(%dma_wait3A_622 : memref<50x32xf32, #tpu.memory_space<vmem>>)
      %dma_wait3A_633 = arith.constant 10 : i32
      %dma_wait3A_634 = arith.constant 10 : i32
      %dma_wait3A_635 = arith.constant 0 : i32
      %dma_wait3A_636 = arith.constant 0 : i32
      %dma_wait3A_637 = arith.constant 0 : i32
      %dma_wait3A_638 = tpu.memref_slice %arg6[%rem3A_63, %dma_wait3A_635, %dma_wait3A_636, %dma_wait3A_637] : memref<2x16x50x32xf32, #tpu.memory_space<vmem>> -> memref<1x16x50x32xf32, #tpu.memory_space<vmem>>
      %dma_wait3A_639 = tpu.memref_squeeze %dma_wait3A_638 : memref<1x16x50x32xf32, #tpu.memory_space<vmem>> -> memref<16x50x32xf32, #tpu.memory_space<vmem>>
      %dma_wait3A_640 = arith.constant 0 : i32
      %dma_wait3A_641 = arith.constant 0 : i32
      %dma_wait3A_642 = tpu.memref_slice %dma_wait3A_639[%dma_wait3A_634, %dma_wait3A_640, %dma_wait3A_641] : memref<16x50x32xf32, #tpu.memory_space<vmem>> -> memref<1x50x32xf32, #tpu.memory_space<vmem>>
      %dma_wait3A_643 = tpu.memref_squeeze %dma_wait3A_642 : memref<1x50x32xf32, #tpu.memory_space<vmem>> -> memref<50x32xf32, #tpu.memory_space<vmem>>
      %dma_wait3A_644 = arith.constant 0 : i32
      %dma_wait3A_645 = arith.constant 0 : i32
      %dma_wait3A_646 = tpu.memref_slice %arg5[%rem3A_63, %dma_wait3A_644, %dma_wait3A_645] : memref<2x16x50xi32, #tpu.memory_space<vmem>> -> memref<1x16x50xi32, #tpu.memory_space<vmem>>
      %dma_wait3A_647 = tpu.memref_squeeze %dma_wait3A_646 : memref<1x16x50xi32, #tpu.memory_space<vmem>> -> memref<16x50xi32, #tpu.memory_space<vmem>>
      %dma_wait3A_648 = arith.constant 0 : i32
      %dma_wait3A_649 = tpu.memref_slice %dma_wait3A_647[%dma_wait3A_633, %dma_wait3A_648] : memref<16x50xi32, #tpu.memory_space<vmem>> -> memref<1x50xi32, #tpu.memory_space<vmem>>
      %dma_wait3A_650 = tpu.memref_squeeze %dma_wait3A_649 : memref<1x50xi32, #tpu.memory_space<vmem>> -> memref<50xi32, #tpu.memory_space<vmem>>
      %dma_wait3A_651 = arith.constant 0 : i32
      %dma_wait3A_652 = arith.constant 0 : i32
      %dma_wait3A_653 = tpu.memref_slice %arg3[%dma_wait3A_651, %dma_wait3A_652] : memref<1000000x32xf32, #tpu.memory_space<hbm>> -> memref<1000000x32xf32, #tpu.memory_space<hbm>>
      tpu.wait_indirect_dma semaphore(%arg8 : memref<!tpu.dma_semaphore, #tpu.memory_space<semaphore_mem>>) src(%dma_wait3A_653 : memref<1000000x32xf32, #tpu.memory_space<hbm>>) dst(%dma_wait3A_643 : memref<50x32xf32, #tpu.memory_space<vmem>>)
      %dma_wait3A_654 = arith.constant 11 : i32
      %dma_wait3A_655 = arith.constant 11 : i32
      %dma_wait3A_656 = arith.constant 0 : i32
      %dma_wait3A_657 = arith.constant 0 : i32
      %dma_wait3A_658 = arith.constant 0 : i32
      %dma_wait3A_659 = tpu.memref_slice %arg6[%rem3A_63, %dma_wait3A_656, %dma_wait3A_657, %dma_wait3A_658] : memref<2x16x50x32xf32, #tpu.memory_space<vmem>> -> memref<1x16x50x32xf32, #tpu.memory_space<vmem>>
      %dma_wait3A_660 = tpu.memref_squeeze %dma_wait3A_659 : memref<1x16x50x32xf32, #tpu.memory_space<vmem>> -> memref<16x50x32xf32, #tpu.memory_space<vmem>>
      %dma_wait3A_661 = arith.constant 0 : i32
      %dma_wait3A_662 = arith.constant 0 : i32
      %dma_wait3A_663 = tpu.memref_slice %dma_wait3A_660[%dma_wait3A_655, %dma_wait3A_661, %dma_wait3A_662] : memref<16x50x32xf32, #tpu.memory_space<vmem>> -> memref<1x50x32xf32, #tpu.memory_space<vmem>>
      %dma_wait3A_664 = tpu.memref_squeeze %dma_wait3A_663 : memref<1x50x32xf32, #tpu.memory_space<vmem>> -> memref<50x32xf32, #tpu.memory_space<vmem>>
      %dma_wait3A_665 = arith.constant 0 : i32
      %dma_wait3A_666 = arith.constant 0 : i32
      %dma_wait3A_667 = tpu.memref_slice %arg5[%rem3A_63, %dma_wait3A_665, %dma_wait3A_666] : memref<2x16x50xi32, #tpu.memory_space<vmem>> -> memref<1x16x50xi32, #tpu.memory_space<vmem>>
      %dma_wait3A_668 = tpu.memref_squeeze %dma_wait3A_667 : memref<1x16x50xi32, #tpu.memory_space<vmem>> -> memref<16x50xi32, #tpu.memory_space<vmem>>
      %dma_wait3A_669 = arith.constant 0 : i32
      %dma_wait3A_670 = tpu.memref_slice %dma_wait3A_668[%dma_wait3A_654, %dma_wait3A_669] : memref<16x50xi32, #tpu.memory_space<vmem>> -> memref<1x50xi32, #tpu.memory_space<vmem>>
      %dma_wait3A_671 = tpu.memref_squeeze %dma_wait3A_670 : memref<1x50xi32, #tpu.memory_space<vmem>> -> memref<50xi32, #tpu.memory_space<vmem>>
      %dma_wait3A_672 = arith.constant 0 : i32
      %dma_wait3A_673 = arith.constant 0 : i32
      %dma_wait3A_674 = tpu.memref_slice %arg3[%dma_wait3A_672, %dma_wait3A_673] : memref<1000000x32xf32, #tpu.memory_space<hbm>> -> memref<1000000x32xf32, #tpu.memory_space<hbm>>
      tpu.wait_indirect_dma semaphore(%arg8 : memref<!tpu.dma_semaphore, #tpu.memory_space<semaphore_mem>>) src(%dma_wait3A_674 : memref<1000000x32xf32, #tpu.memory_space<hbm>>) dst(%dma_wait3A_664 : memref<50x32xf32, #tpu.memory_space<vmem>>)
      %dma_wait3A_675 = arith.constant 12 : i32
      %dma_wait3A_676 = arith.constant 12 : i32
      %dma_wait3A_677 = arith.constant 0 : i32
      %dma_wait3A_678 = arith.constant 0 : i32
      %dma_wait3A_679 = arith.constant 0 : i32
      %dma_wait3A_680 = tpu.memref_slice %arg6[%rem3A_63, %dma_wait3A_677, %dma_wait3A_678, %dma_wait3A_679] : memref<2x16x50x32xf32, #tpu.memory_space<vmem>> -> memref<1x16x50x32xf32, #tpu.memory_space<vmem>>
      %dma_wait3A_681 = tpu.memref_squeeze %dma_wait3A_680 : memref<1x16x50x32xf32, #tpu.memory_space<vmem>> -> memref<16x50x32xf32, #tpu.memory_space<vmem>>
      %dma_wait3A_682 = arith.constant 0 : i32
      %dma_wait3A_683 = arith.constant 0 : i32
      %dma_wait3A_684 = tpu.memref_slice %dma_wait3A_681[%dma_wait3A_676, %dma_wait3A_682, %dma_wait3A_683] : memref<16x50x32xf32, #tpu.memory_space<vmem>> -> memref<1x50x32xf32, #tpu.memory_space<vmem>>
      %dma_wait3A_685 = tpu.memref_squeeze %dma_wait3A_684 : memref<1x50x32xf32, #tpu.memory_space<vmem>> -> memref<50x32xf32, #tpu.memory_space<vmem>>
      %dma_wait3A_686 = arith.constant 0 : i32
      %dma_wait3A_687 = arith.constant 0 : i32
      %dma_wait3A_688 = tpu.memref_slice %arg5[%rem3A_63, %dma_wait3A_686, %dma_wait3A_687] : memref<2x16x50xi32, #tpu.memory_space<vmem>> -> memref<1x16x50xi32, #tpu.memory_space<vmem>>
      %dma_wait3A_689 = tpu.memref_squeeze %dma_wait3A_688 : memref<1x16x50xi32, #tpu.memory_space<vmem>> -> memref<16x50xi32, #tpu.memory_space<vmem>>
      %dma_wait3A_690 = arith.constant 0 : i32
      %dma_wait3A_691 = tpu.memref_slice %dma_wait3A_689[%dma_wait3A_675, %dma_wait3A_690] : memref<16x50xi32, #tpu.memory_space<vmem>> -> memref<1x50xi32, #tpu.memory_space<vmem>>
      %dma_wait3A_692 = tpu.memref_squeeze %dma_wait3A_691 : memref<1x50xi32, #tpu.memory_space<vmem>> -> memref<50xi32, #tpu.memory_space<vmem>>
      %dma_wait3A_693 = arith.constant 0 : i32
      %dma_wait3A_694 = arith.constant 0 : i32
      %dma_wait3A_695 = tpu.memref_slice %arg3[%dma_wait3A_693, %dma_wait3A_694] : memref<1000000x32xf32, #tpu.memory_space<hbm>> -> memref<1000000x32xf32, #tpu.memory_space<hbm>>
      tpu.wait_indirect_dma semaphore(%arg8 : memref<!tpu.dma_semaphore, #tpu.memory_space<semaphore_mem>>) src(%dma_wait3A_695 : memref<1000000x32xf32, #tpu.memory_space<hbm>>) dst(%dma_wait3A_685 : memref<50x32xf32, #tpu.memory_space<vmem>>)
      %dma_wait3A_696 = arith.constant 13 : i32
      %dma_wait3A_697 = arith.constant 13 : i32
      %dma_wait3A_698 = arith.constant 0 : i32
      %dma_wait3A_699 = arith.constant 0 : i32
      %dma_wait3A_700 = arith.constant 0 : i32
      %dma_wait3A_701 = tpu.memref_slice %arg6[%rem3A_63, %dma_wait3A_698, %dma_wait3A_699, %dma_wait3A_700] : memref<2x16x50x32xf32, #tpu.memory_space<vmem>> -> memref<1x16x50x32xf32, #tpu.memory_space<vmem>>
      %dma_wait3A_702 = tpu.memref_squeeze %dma_wait3A_701 : memref<1x16x50x32xf32, #tpu.memory_space<vmem>> -> memref<16x50x32xf32, #tpu.memory_space<vmem>>
      %dma_wait3A_703 = arith.constant 0 : i32
      %dma_wait3A_704 = arith.constant 0 : i32
      %dma_wait3A_705 = tpu.memref_slice %dma_wait3A_702[%dma_wait3A_697, %dma_wait3A_703, %dma_wait3A_704] : memref<16x50x32xf32, #tpu.memory_space<vmem>> -> memref<1x50x32xf32, #tpu.memory_space<vmem>>
      %dma_wait3A_706 = tpu.memref_squeeze %dma_wait3A_705 : memref<1x50x32xf32, #tpu.memory_space<vmem>> -> memref<50x32xf32, #tpu.memory_space<vmem>>
      %dma_wait3A_707 = arith.constant 0 : i32
      %dma_wait3A_708 = arith.constant 0 : i32
      %dma_wait3A_709 = tpu.memref_slice %arg5[%rem3A_63, %dma_wait3A_707, %dma_wait3A_708] : memref<2x16x50xi32, #tpu.memory_space<vmem>> -> memref<1x16x50xi32, #tpu.memory_space<vmem>>
      %dma_wait3A_710 = tpu.memref_squeeze %dma_wait3A_709 : memref<1x16x50xi32, #tpu.memory_space<vmem>> -> memref<16x50xi32, #tpu.memory_space<vmem>>
      %dma_wait3A_711 = arith.constant 0 : i32
      %dma_wait3A_712 = tpu.memref_slice %dma_wait3A_710[%dma_wait3A_696, %dma_wait3A_711] : memref<16x50xi32, #tpu.memory_space<vmem>> -> memref<1x50xi32, #tpu.memory_space<vmem>>
      %dma_wait3A_713 = tpu.memref_squeeze %dma_wait3A_712 : memref<1x50xi32, #tpu.memory_space<vmem>> -> memref<50xi32, #tpu.memory_space<vmem>>
      %dma_wait3A_714 = arith.constant 0 : i32
      %dma_wait3A_715 = arith.constant 0 : i32
      %dma_wait3A_716 = tpu.memref_slice %arg3[%dma_wait3A_714, %dma_wait3A_715] : memref<1000000x32xf32, #tpu.memory_space<hbm>> -> memref<1000000x32xf32, #tpu.memory_space<hbm>>
      tpu.wait_indirect_dma semaphore(%arg8 : memref<!tpu.dma_semaphore, #tpu.memory_space<semaphore_mem>>) src(%dma_wait3A_716 : memref<1000000x32xf32, #tpu.memory_space<hbm>>) dst(%dma_wait3A_706 : memref<50x32xf32, #tpu.memory_space<vmem>>)
      %dma_wait3A_717 = arith.constant 14 : i32
      %dma_wait3A_718 = arith.constant 14 : i32
      %dma_wait3A_719 = arith.constant 0 : i32
      %dma_wait3A_720 = arith.constant 0 : i32
      %dma_wait3A_721 = arith.constant 0 : i32
      %dma_wait3A_722 = tpu.memref_slice %arg6[%rem3A_63, %dma_wait3A_719, %dma_wait3A_720, %dma_wait3A_721] : memref<2x16x50x32xf32, #tpu.memory_space<vmem>> -> memref<1x16x50x32xf32, #tpu.memory_space<vmem>>
      %dma_wait3A_723 = tpu.memref_squeeze %dma_wait3A_722 : memref<1x16x50x32xf32, #tpu.memory_space<vmem>> -> memref<16x50x32xf32, #tpu.memory_space<vmem>>
      %dma_wait3A_724 = arith.constant 0 : i32
      %dma_wait3A_725 = arith.constant 0 : i32
      %dma_wait3A_726 = tpu.memref_slice %dma_wait3A_723[%dma_wait3A_718, %dma_wait3A_724, %dma_wait3A_725] : memref<16x50x32xf32, #tpu.memory_space<vmem>> -> memref<1x50x32xf32, #tpu.memory_space<vmem>>
      %dma_wait3A_727 = tpu.memref_squeeze %dma_wait3A_726 : memref<1x50x32xf32, #tpu.memory_space<vmem>> -> memref<50x32xf32, #tpu.memory_space<vmem>>
      %dma_wait3A_728 = arith.constant 0 : i32
      %dma_wait3A_729 = arith.constant 0 : i32
      %dma_wait3A_730 = tpu.memref_slice %arg5[%rem3A_63, %dma_wait3A_728, %dma_wait3A_729] : memref<2x16x50xi32, #tpu.memory_space<vmem>> -> memref<1x16x50xi32, #tpu.memory_space<vmem>>
      %dma_wait3A_731 = tpu.memref_squeeze %dma_wait3A_730 : memref<1x16x50xi32, #tpu.memory_space<vmem>> -> memref<16x50xi32, #tpu.memory_space<vmem>>
      %dma_wait3A_732 = arith.constant 0 : i32
      %dma_wait3A_733 = tpu.memref_slice %dma_wait3A_731[%dma_wait3A_717, %dma_wait3A_732] : memref<16x50xi32, #tpu.memory_space<vmem>> -> memref<1x50xi32, #tpu.memory_space<vmem>>
      %dma_wait3A_734 = tpu.memref_squeeze %dma_wait3A_733 : memref<1x50xi32, #tpu.memory_space<vmem>> -> memref<50xi32, #tpu.memory_space<vmem>>
      %dma_wait3A_735 = arith.constant 0 : i32
      %dma_wait3A_736 = arith.constant 0 : i32
      %dma_wait3A_737 = tpu.memref_slice %arg3[%dma_wait3A_735, %dma_wait3A_736] : memref<1000000x32xf32, #tpu.memory_space<hbm>> -> memref<1000000x32xf32, #tpu.memory_space<hbm>>
      tpu.wait_indirect_dma semaphore(%arg8 : memref<!tpu.dma_semaphore, #tpu.memory_space<semaphore_mem>>) src(%dma_wait3A_737 : memref<1000000x32xf32, #tpu.memory_space<hbm>>) dst(%dma_wait3A_727 : memref<50x32xf32, #tpu.memory_space<vmem>>)
      %dma_wait3A_738 = arith.constant 15 : i32
      %dma_wait3A_739 = arith.constant 15 : i32
      %dma_wait3A_740 = arith.constant 0 : i32
      %dma_wait3A_741 = arith.constant 0 : i32
      %dma_wait3A_742 = arith.constant 0 : i32
      %dma_wait3A_743 = tpu.memref_slice %arg6[%rem3A_63, %dma_wait3A_740, %dma_wait3A_741, %dma_wait3A_742] : memref<2x16x50x32xf32, #tpu.memory_space<vmem>> -> memref<1x16x50x32xf32, #tpu.memory_space<vmem>>
      %dma_wait3A_744 = tpu.memref_squeeze %dma_wait3A_743 : memref<1x16x50x32xf32, #tpu.memory_space<vmem>> -> memref<16x50x32xf32, #tpu.memory_space<vmem>>
      %dma_wait3A_745 = arith.constant 0 : i32
      %dma_wait3A_746 = arith.constant 0 : i32
      %dma_wait3A_747 = tpu.memref_slice %dma_wait3A_744[%dma_wait3A_739, %dma_wait3A_745, %dma_wait3A_746] : memref<16x50x32xf32, #tpu.memory_space<vmem>> -> memref<1x50x32xf32, #tpu.memory_space<vmem>>
      %dma_wait3A_748 = tpu.memref_squeeze %dma_wait3A_747 : memref<1x50x32xf32, #tpu.memory_space<vmem>> -> memref<50x32xf32, #tpu.memory_space<vmem>>
      %dma_wait3A_749 = arith.constant 0 : i32
      %dma_wait3A_750 = arith.constant 0 : i32
      %dma_wait3A_751 = tpu.memref_slice %arg5[%rem3A_63, %dma_wait3A_749, %dma_wait3A_750] : memref<2x16x50xi32, #tpu.memory_space<vmem>> -> memref<1x16x50xi32, #tpu.memory_space<vmem>>
      %dma_wait3A_752 = tpu.memref_squeeze %dma_wait3A_751 : memref<1x16x50xi32, #tpu.memory_space<vmem>> -> memref<16x50xi32, #tpu.memory_space<vmem>>
      %dma_wait3A_753 = arith.constant 0 : i32
      %dma_wait3A_754 = tpu.memref_slice %dma_wait3A_752[%dma_wait3A_738, %dma_wait3A_753] : memref<16x50xi32, #tpu.memory_space<vmem>> -> memref<1x50xi32, #tpu.memory_space<vmem>>
      %dma_wait3A_755 = tpu.memref_squeeze %dma_wait3A_754 : memref<1x50xi32, #tpu.memory_space<vmem>> -> memref<50xi32, #tpu.memory_space<vmem>>
      %dma_wait3A_756 = arith.constant 0 : i32
      %dma_wait3A_757 = arith.constant 0 : i32
      %dma_wait3A_758 = tpu.memref_slice %arg3[%dma_wait3A_756, %dma_wait3A_757] : memref<1000000x32xf32, #tpu.memory_space<hbm>> -> memref<1000000x32xf32, #tpu.memory_space<hbm>>
      tpu.wait_indirect_dma semaphore(%arg8 : memref<!tpu.dma_semaphore, #tpu.memory_space<semaphore_mem>>) src(%dma_wait3A_758 : memref<1000000x32xf32, #tpu.memory_space<hbm>>) dst(%dma_wait3A_748 : memref<50x32xf32, #tpu.memory_space<vmem>>)
      %mul3A_759 = arith.constant 16 : i32
      %mul3A_760 = arith.muli %add3A_62, %mul3A_759 : i32
      %add3A_761 = arith.addi %mul3A_2, %mul3A_760 : i32
      %dma_start3A_762 = arith.constant 0 : i32
      %dma_start3A_763 = arith.constant 0 : i32
      %dma_start3A_764 = arith.constant 0 : i32
      %dma_start3A_765 = tpu.memref_slice %arg6[%rem3A_63, %dma_start3A_762, %dma_start3A_763, %dma_start3A_764] : memref<2x16x50x32xf32, #tpu.memory_space<vmem>> -> memref<1x16x50x32xf32, #tpu.memory_space<vmem>>
      %dma_start3A_766 = tpu.memref_squeeze %dma_start3A_765 : memref<1x16x50x32xf32, #tpu.memory_space<vmem>> -> memref<16x50x32xf32, #tpu.memory_space<vmem>>
      %dma_start3A_767 = arith.constant 0 : i32
      %dma_start3A_768 = arith.constant 0 : i32
      %dma_start3A_769 = tpu.memref_slice %arg4[%add3A_761, %dma_start3A_767, %dma_start3A_768] : memref<16384x50x32xf32, #tpu.memory_space<hbm>> -> memref<16x50x32xf32, #tpu.memory_space<hbm>>
      %dma_start3A_770 = arith.constant 0 : i32
      %dma_start3A_771 = arith.constant 0 : i32
      %dma_start3A_772 = tpu.memref_slice %arg4[%add3A_761, %dma_start3A_770, %dma_start3A_771] : memref<16384x50x32xf32, #tpu.memory_space<hbm>> -> memref<16x50x32xf32, #tpu.memory_space<hbm>>
      %dma_start3A_773 = arith.constant 0 : i32
      %dma_start3A_774 = arith.constant 0 : i32
      %dma_start3A_775 = arith.constant 0 : i32
      %dma_start3A_776 = tpu.memref_slice %arg6[%rem3A_63, %dma_start3A_773, %dma_start3A_774, %dma_start3A_775] : memref<2x16x50x32xf32, #tpu.memory_space<vmem>> -> memref<1x16x50x32xf32, #tpu.memory_space<vmem>>
      %dma_start3A_777 = tpu.memref_squeeze %dma_start3A_776 : memref<1x16x50x32xf32, #tpu.memory_space<vmem>> -> memref<16x50x32xf32, #tpu.memory_space<vmem>>
      tpu.enqueue_dma source(%dma_start3A_777 : memref<16x50x32xf32, #tpu.memory_space<vmem>>) target(%dma_start3A_772 : memref<16x50x32xf32, #tpu.memory_space<hbm>>) target_semaphore(%arg9 : memref<!tpu.dma_semaphore, #tpu.memory_space<semaphore_mem>>)
    }
    %scan3A_20 = arith.constant 32 : i32
    %add3A_21 = arith.constant 480 : i32
    %add3A_22 = arith.addi %mul3A_2, %add3A_21 : i32
    %dma_wait3A = arith.constant 0 : i32
    %dma_wait3A_23 = arith.constant 0 : i32
    %dma_wait3A_24 = arith.constant 0 : i32
    %dma_wait3A_25 = arith.constant 0 : i32
    %dma_wait3A_26 = tpu.memref_slice %arg6[%dma_wait3A, %dma_wait3A_23, %dma_wait3A_24, %dma_wait3A_25] : memref<2x16x50x32xf32, #tpu.memory_space<vmem>> -> memref<1x16x50x32xf32, #tpu.memory_space<vmem>>
    %dma_wait3A_27 = tpu.memref_squeeze %dma_wait3A_26 : memref<1x16x50x32xf32, #tpu.memory_space<vmem>> -> memref<16x50x32xf32, #tpu.memory_space<vmem>>
    %dma_wait3A_28 = arith.constant 0 : i32
    %dma_wait3A_29 = arith.constant 0 : i32
    %dma_wait3A_30 = tpu.memref_slice %arg4[%add3A_22, %dma_wait3A_28, %dma_wait3A_29] : memref<16384x50x32xf32, #tpu.memory_space<hbm>> -> memref<16x50x32xf32, #tpu.memory_space<hbm>>
    %dma_wait3A_31 = arith.constant 0 : i32
    %dma_wait3A_32 = arith.constant 0 : i32
    %dma_wait3A_33 = tpu.memref_slice %arg4[%add3A_22, %dma_wait3A_31, %dma_wait3A_32] : memref<16384x50x32xf32, #tpu.memory_space<hbm>> -> memref<16x50x32xf32, #tpu.memory_space<hbm>>
    %dma_wait3A_34 = arith.constant 0 : i32
    %dma_wait3A_35 = arith.constant 0 : i32
    %dma_wait3A_36 = arith.constant 0 : i32
    %dma_wait3A_37 = tpu.memref_slice %arg6[%dma_wait3A, %dma_wait3A_34, %dma_wait3A_35, %dma_wait3A_36] : memref<2x16x50x32xf32, #tpu.memory_space<vmem>> -> memref<1x16x50x32xf32, #tpu.memory_space<vmem>>
    %dma_wait3A_38 = tpu.memref_squeeze %dma_wait3A_37 : memref<1x16x50x32xf32, #tpu.memory_space<vmem>> -> memref<16x50x32xf32, #tpu.memory_space<vmem>>
    tpu.wait_dma2 semaphore(%arg9 : memref<!tpu.dma_semaphore, #tpu.memory_space<semaphore_mem>>) src(%dma_wait3A_38 : memref<16x50x32xf32, #tpu.memory_space<vmem>>) dst(%dma_wait3A_33 : memref<16x50x32xf32, #tpu.memory_space<hbm>>)
    %add3A_39 = arith.constant 496 : i32
    %add3A_40 = arith.addi %mul3A_2, %add3A_39 : i32
    %dma_wait3A_41 = arith.constant 1 : i32
    %dma_wait3A_42 = arith.constant 0 : i32
    %dma_wait3A_43 = arith.constant 0 : i32
    %dma_wait3A_44 = arith.constant 0 : i32
    %dma_wait3A_45 = tpu.memref_slice %arg6[%dma_wait3A_41, %dma_wait3A_42, %dma_wait3A_43, %dma_wait3A_44] : memref<2x16x50x32xf32, #tpu.memory_space<vmem>> -> memref<1x16x50x32xf32, #tpu.memory_space<vmem>>
    %dma_wait3A_46 = tpu.memref_squeeze %dma_wait3A_45 : memref<1x16x50x32xf32, #tpu.memory_space<vmem>> -> memref<16x50x32xf32, #tpu.memory_space<vmem>>
    %dma_wait3A_47 = arith.constant 0 : i32
    %dma_wait3A_48 = arith.constant 0 : i32
    %dma_wait3A_49 = tpu.memref_slice %arg4[%add3A_40, %dma_wait3A_47, %dma_wait3A_48] : memref<16384x50x32xf32, #tpu.memory_space<hbm>> -> memref<16x50x32xf32, #tpu.memory_space<hbm>>
    %dma_wait3A_50 = arith.constant 0 : i32
    %dma_wait3A_51 = arith.constant 0 : i32
    %dma_wait3A_52 = tpu.memref_slice %arg4[%add3A_40, %dma_wait3A_50, %dma_wait3A_51] : memref<16384x50x32xf32, #tpu.memory_space<hbm>> -> memref<16x50x32xf32, #tpu.memory_space<hbm>>
    %dma_wait3A_53 = arith.constant 0 : i32
    %dma_wait3A_54 = arith.constant 0 : i32
    %dma_wait3A_55 = arith.constant 0 : i32
    %dma_wait3A_56 = tpu.memref_slice %arg6[%dma_wait3A_41, %dma_wait3A_53, %dma_wait3A_54, %dma_wait3A_55] : memref<2x16x50x32xf32, #tpu.memory_space<vmem>> -> memref<1x16x50x32xf32, #tpu.memory_space<vmem>>
    %dma_wait3A_57 = tpu.memref_squeeze %dma_wait3A_56 : memref<1x16x50x32xf32, #tpu.memory_space<vmem>> -> memref<16x50x32xf32, #tpu.memory_space<vmem>>
    tpu.wait_dma2 semaphore(%arg9 : memref<!tpu.dma_semaphore, #tpu.memory_space<semaphore_mem>>) src(%dma_wait3A_57 : memref<16x50x32xf32, #tpu.memory_space<vmem>>) dst(%dma_wait3A_52 : memref<16x50x32xf32, #tpu.memory_space<hbm>>)
    return
  }
}

</mosaic_0001>

<sc_bundles>
// kernel: kernel.3.cloned.1.call-start
scs
__scs_entry_jumppad:
0x0: {  	(pc) =	sbr.rel $0x88, $3  }
0x1: {  	(tag) =	ssettag $0x0;
	lr =	simm.s32 $0x1  }
0x2: {  	[smem:$0x3F9F] =	sst lr;
	_ =	strace $0xD0000000  }
0x3: {  	_ = 	snop  }
0x4: {  	_ = 	snop  }
0x5: {  	_ = 	snop  }
0x6: {  	_ = 	snop  }
0x7: {  	_ = 	snop  }
__scs_overlays_trampoline_lowered:
0x8: {  	[smem:$0x3FAE] =	sst s0  }
0x9: {  	[smem:$0x3FAF] =	sst s1  }
0xa: {  	[smem:$0x3FB0] =	sst s2  }
0xb: {  	[smem:$0x3FB1] =	sst s3  }
0xc: {  	[smem:$0x3FB2] =	sst s4  }
0xd: {  	[smem:$0x3FB3] =	sst s5  }
0xe: {  	[smem:$0x3FB4] =	sst s6  }
0xf: {  	[smem:$0x3FB5] =	sst s7  }
0x10: {  	[smem:$0x3FB6] =	sst s8  }
0x11: {  	[smem:$0x3FB7] =	sst s9;
	s0 =	simm.s32 @!p0 $0x0  }
0x12: {  	s1 =	sld [smem:$0x3F9D];
	s0 =	simm.s32 @p0 $0x1  }
0x13: {  	[smem:$0x3FB8] =	sst s0;
	s0 =	simm.s32 @!p1 $0x0  }
0x14: {  	s2 =	sld [smem:$0x3F9C];
	s0 =	simm.s32 @p1 $0x1  }
0x15: {  	[smem:$0x3FB9] =	sst s0;
	s0 =	simm.s32 @!p2 $0x0  }
0x16: {  	s3 =	sld [smem:$0x3FDB];
	s0 =	simm.s32 @p2 $0x1  }
0x17: {  	s4 =	simm.s32 $0x1BF5;
	[smem:$0x3FBB] =	sst s0  }
0x18: {  	s0 =	sld [smem:$0x3F9E];
	_ =	swait.ge [sflag:s4], $0x0  }
0x19: {  	s7 =	sld [smem:$0x3F9F]  }
0x1a: {  	s8 =	sadd.s32 $0xFFFFE003, lr  }
0x1b: {  	s9 =	sadd.s32 $0xFFFFFEF7, lr;
	s5 =	simm.s32 $0xFFFFFFFF;
	p2 =	slt.u32 s8, $0xFFFFF086  }
0x1c: {  	p1 =	slt.u32 s9, $0xF7A;
	s5 =	simm.s32 @!p2 $0x0  }
0x1d: {  	s5 =	simm.s32 @p1 $0x1;
	p0 =	seq.s32 s7, s2  }
0x1e: {  	s7 =	smul.u32 @!p0 $0xF7A, s2;
	p2 =	seq.s32 @!p0 s5, $0x0  }
0x1f: {  	s9 =	smul.u32 $0xF7A, s1;
	s8 =	simm.s32 @!p0 $0x1BF5;
	p2 =	por !p2, p0  }
0x20: {  	[sflag:s8] =	ssyncset.s32 @!p0 $0xFFFFF086;
	s6 =	sadd.s32 @!p0 s3, s7;
	s7 =	simm.s32 @!p0 $0x108  }
0x21: {  	s3 =	sadd.s32 s3, s9;
	s6 =	sadd.s32 @!p0 $0x88, s6;
	s7 =	simm.s32 @p2 $0x1082  }
0x22: {  	[simem:s7], [sflag:s8] =	dma.local @!p0 [hbm:s6], $0xF7A  }
0x23: {  	s9 =	sor.u32 $0xD0000000, s2;
	s6 =	simm.s32 $0x108;
	_ =	swait.ge @!p0 [sflag:s8], $0x0  }
0x24: {  	s3 =	sadd.s32 $0x88, s3;
	s6 =	simm.s32 @!p1 $0x1082;
	[sflag:s4] =	ssyncset.s32 $0xFFFFF086  }
0x25: {  	[simem:s6], [sflag:s4] =	dma.local [hbm:s3], $0xF7A  }
0x26: {  	[smem:$0x3F9F] =	sst s1;
	(tag) =	ssettag s2;
	_ =	strace s9  }
0x27: {  	s1 =	sld [smem:$0x3FAF]  }
0x28: {  	s2 =	sld [smem:$0x3FB0]  }
0x29: {  	s4 =	sld [smem:$0x3FB2]  }
0x2a: {  	p0 =	seq.s32 s5, $0x0;
	s5 =	sld [smem:$0x3FB3]  }
0x2b: {  	s6 =	sld [smem:$0x3FB4]  }
0x2c: {  	s7 =	sld [smem:$0x3FB5]  }
0x2d: {  	s3 =	simm.s32 $0x108;
	s8 =	sld [smem:$0x3FB6]  }
0x2e: {  	s3 =	simm.s32 @!p0 $0x1082;
	s9 =	sld [smem:$0x3FB7]  }
0x2f: {  	lr =	sadd.s32 s0, s3;
	s0 =	sld [smem:$0x3FAE]  }
0x30: {  	s3 =	sld [smem:$0x3FB1]  }
0x31: {  	[smem:$0x3FBA] =	sst s10  }
0x32: {  	s10 =	sld [smem:$0x3FB8];
	_ =	sdelay $0x3  }
0x33: {  	p0 =	seq.s32 s10, $0x1;
	s10 =	sld [smem:$0x3FBA];
	_ =	sdelay $0x3  }
0x34: {  	[smem:$0x3FBA] =	sst s10  }
0x35: {  	s10 =	sld [smem:$0x3FB9];
	_ =	sdelay $0x3  }
0x36: {  	p1 =	seq.s32 s10, $0x1;
	s10 =	sld [smem:$0x3FBA];
	_ =	sdelay $0x3  }
0x37: {  	[smem:$0x3FBA] =	sst s10  }
0x38: {  	s10 =	sld [smem:$0x3FBB]  }
0x39: {  	_ = 	snop;
	(pc) =	sbr.ind lr, $3  }
0x3a: {  	_ = 	snop  }
0x3b: {  	_ = 	snop  }
0x3c: {  	p2 =	seq.s32 s10, $0x1;
	s10 =	sld [smem:$0x3FBA]  }
0x3d: {  	_ =	shalt  }
0x3e: {  	_ =	shalt  }
0x3f: {  	_ =	shalt  }
0x40: {  	_ =	shalt  }
0x41: {  	_ =	shalt  }
0x42: {  	_ =	shalt  }
0x43: {  	_ =	shalt  }
0x44: {  	_ =	shalt  }
0x45: {  	_ =	shalt  }
0x46: {  	_ =	shalt  }
0x47: {  	_ =	shalt  }
0x48: {  	_ =	shalt  }
0x49: {  	_ =	shalt  }
0x4a: {  	_ =	shalt  }
0x4b: {  	_ =	shalt  }
0x4c: {  	_ =	shalt  }
0x4d: {  	_ =	shalt  }
0x4e: {  	_ =	shalt  }
0x4f: {  	_ =	shalt  }
0x50: {  	_ =	shalt  }
0x51: {  	_ =	shalt  }
0x52: {  	_ =	shalt  }
0x53: {  	_ =	shalt  }
0x54: {  	_ =	shalt  }
0x55: {  	_ =	shalt  }
0x56: {  	_ =	shalt  }
0x57: {  	_ =	shalt  }
0x58: {  	_ =	shalt  }
0x59: {  	_ =	shalt  }
0x5a: {  	_ =	shalt  }
0x5b: {  	_ =	shalt  }
0x5c: {  	_ =	shalt  }
0x5d: {  	_ =	shalt  }
0x5e: {  	_ =	shalt  }
0x5f: {  	_ =	shalt  }
0x60: {  	_ =	shalt  }
0x61: {  	_ =	shalt  }
0x62: {  	_ =	shalt  }
0x63: {  	_ =	shalt  }
0x64: {  	_ =	shalt  }
0x65: {  	_ =	shalt  }
0x66: {  	_ =	shalt  }
0x67: {  	_ =	shalt  }
0x68: {  	_ =	shalt  }
0x69: {  	_ =	shalt  }
0x6a: {  	_ =	shalt  }
0x6b: {  	_ =	shalt  }
0x6c: {  	_ =	shalt  }
0x6d: {  	_ =	shalt  }
0x6e: {  	_ =	shalt  }
0x6f: {  	_ =	shalt  }
0x70: {  	_ =	shalt  }
0x71: {  	_ =	shalt  }
0x72: {  	_ =	shalt  }
0x73: {  	_ =	shalt  }
0x74: {  	_ =	shalt  }
0x75: {  	_ =	shalt  }
0x76: {  	_ =	shalt  }
0x77: {  	_ =	shalt  }
0x78: {  	_ =	shalt  }
0x79: {  	_ =	shalt  }
0x7a: {  	_ =	shalt  }
0x7b: {  	_ =	shalt  }
0x7c: {  	_ =	shalt  }
0x7d: {  	_ =	shalt  }
0x7e: {  	_ =	shalt  }
0x7f: {  	_ =	shalt  }
0x80: {  	_ =	shalt  }
0x81: {  	_ =	shalt  }
0x82: {  	_ =	shalt  }
0x83: {  	_ =	shalt  }
0x84: {  	_ =	shalt  }
0x85: {  	_ =	shalt  }
0x86: {  	_ =	shalt  }
0x87: {  	_ =	shalt  }
.Lfunc_end0:
.L_simem_size_0:
called_computation.1_lowered:
.L_overlay_start_0:
0x88: {  	s2 =	sld [smem:$0x3FD9]  }
0x89: {  	s3 =	sld [smem:$0x3FFE];
	_ =	sdelay $0x1  }
0x8a: {  	s1 =	srdreg.scid  }
0x8b: {  	s0 =	sand.u32 $0x1, s1  }
0x8c: {  	s17 =	sshll.u32 s0, $0xA;
	s2 =	sadd.s32 s3, s2  }
0x8d: {  	s2 =	sadd.s32 s2, s17  }
0x8e: {  	[smem:$0x3FC6] =	sst s2  }
0x8f: {  	_ = 	snop  }
0x90: {  	s2 =	sld [smem:$0x3FD0];
	(tm) =	ssettm $0x1  }
0x91: {  	s18 =	sld [smem:$0x3FFB];
	_ =	sdelay $0x3  }
0x92: {  	_ =	strace s18  }
0x93: {  	s3 =	sld [smem:$0x3FFC];
	_ =	sdelay $0x3  }
0x94: {  	_ =	strace s3  }
0x95: {  	s3 =	sld [smem:$0x3FFD];
	_ =	sdelay $0x3  }
0x96: {  	_ =	strace s3  }
0x97: {  	_ =	strace $0x8FFFFFFF  }
0x98: {  	s19 =	sld [smem:$0x3FDB];
	_ =	sdelay $0x1  }
0x99: {  	s4 =	simm.s32 $_scs_section_size  }
0x9a: {  	s5 =	simm.s32 $_size__tile_overlayer_lowered;
	s6 =	simm.s32 $_tile_overlayer_lowered  }
0x9b: {  	s22 =	simm.s32 $0x1BFF;
	s21 =	sshll.u32 s6, $0x1;
	s3 =	sadd.s32 s4, s19  }
0x9c: {  	s7 =	simm.s32 $0x0;
	s20 =	sshll.u32 s5, $0x1;
	s5 =	sadd.s32 s21, s3  }
0x9d: {  	[timem:s7], [sflag:s22] =	dma.local [hbm:s5], s20  }
0x9e: {  	_ =	swait.ge [sflag:s22], s20  }
0x9f: {  	s4 =	ssub.s32 $0x0, s20;
	[sflag:s22] =	ssyncset.done $0x0  }
0xa0: {  	[sflag:s22] =	ssyncadd.s32 s4;
	_ =	sdelay $0x1  }
0xa1: {  	s23 =	simm.s32 $0x1B8B  }
0xa2: {  	_ =	swait.ge [sflag:s23], $0x1  }
0xa3: {  	[sflag:s23] =	ssyncset.done $0x0  }
0xa4: {  	s25 =	simm.s32 $0x1B8E;
	s24 =	sld [smem:$0x3FFE];
	[sflag:s23] =	ssyncadd.s32 $0xFFFFFFFF  }
0xa5: {  	s26 =	simm.s32 $execute0_lowered;
	[smem:$0x3FD2] =	sst s25  }
0xa6: {  	s5 =	sshll.u32 s26, $0x1;
	_ =	strace $0x80000046;
	[dreg:$0x1] =	wrdreg $0xFFFFFFFF  }
0xa7: {  	s28 =	simm.s32 $_size_execute0_lowered;
	s3 =	sadd.s32 s3, s5;
	[dreg:$0x0] =	wrdreg $0x0  }
0xa8: {  	s5 =	sshll.u32 s28, $0x1;
	[dreg:$0x2] =	wrdreg s3  }
0xa9: {  	[dreg:$0x3] =	wrdreg s5  }
0xaa: {  	[dreg:$0x4] =	wrdreg $0xC0  }
0xab: {  	_ =	task [dreg:s7], $0x5FFFF  }
0xac: {  	[dreg:$0x1] =	wrdreg $0xFFFFFFFF  }
0xad: {  	[dreg:$0x0] =	wrdreg $0x60  }
0xae: {  	[dreg:$0x2] =	wrdreg s24  }
0xaf: {  	[dreg:$0x3] =	wrdreg s2  }
0xb0: {  	[dreg:$0x4] =	wrdreg $0x9  }
0xb1: {  	_ =	task.clear_ibuf [dreg:s7], $0x5FFFF;
	_ =	strace $0x90000046  }
0xb2: {  	s29 =	simm.s32 $0x9;
	_ =	strace $0x80000048  }
0xb3: {  	_ =	swait.ge [sflag:s29], $0x1  }
0xb4: {  	[sflag:s29] =	ssyncadd.s32 $0xFFFFFFFF  }
0xb5: {  	_ =	strace $0x90000048  }
0xb6: {  	_ =	sfence  }
0xb7: {  	s30 =	sld [smem:$0x0];
	_ =	sdelay $0x2  }
0xb8: {  	s31 =	sshll.u32 s1, $0xD;
	s1 =	sshrl.u32 s1, $0x2  }
0xb9: {  	s3 =	sand.u32 $0x4000, s31;
	s1 =	sadd.s32 s1, s30  }
0xba: {  	s0 =	sor.u32 s3, s0;
	s1 =	sshll.u32 s1, $0x11  }
0xbb: {  	s0 =	sor.u32 s1, s0  }
0xbc: {  	s0 =	sadd.s32 $0x8F2B, s0  }
0xbd: {  	[sflag:s0] =	ssyncadd.remote.s32 $0x1  }
0xbe: {  	_ =	sfence.sel $0xFFFF  }
0xbf: {  	[dreg:$0x0] =	wrdreg $0xFFFFFFFF;
	(pc) =	sbr.abs _section_cstart, $3  }
0xc0: {  	[dreg:$0x1] =	wrdreg $0xFFFFFFFF  }
0xc1: {  	_ =	task.clear_ibuf [dreg:s7], $0x2FFFF;
	_ =	strace $0x9FFFFFFF  }
0xc2: {  	(tm) =	ssettm $0x7FFFFFFF  }
0xc3: {  	_ =	shalt  }
tec
execute0_lowered:
.L_overlay_start_1:
0x0: {  	(tag) =	ssettag $0x1  }
0x1: {  	s3 =	rddreg [dreg:$0x0]  }
0x2: {  	s7 =	rddreg [dreg:$0x1]  }
0x3: {  	s2 =	srdreg.scid;
	s0 =	rddreg [dreg:$0x2]  }
0x4: {  	s1 =	stileid.u32;
	s12 =	simm.s32 $0x0;
	s5 =	sand.u32 $0x1, s2  }
0x5: {  	s2 =	simm.s32 $0x0;
	s4 =	sshll.u32 s1, $0xA;
	s9 =	smul.u32 $0x1C00, s1  }
0x6: {  	s28 =	sadd.s32 $0xA00, s3;
	s3 =	sadd.s32 $0xF42E00, s3;
	s29 =	smul.u32 $0x32000, s1  }
0x7: {  	s6 =	sshll.u32 s5, $0x9;
	[smem:$0x7FF] =	sst s2;
	s11 =	smul.u32 $0xE00, s5  }
0x8: {  	s8 =	ssub.s32 $0x2, s5;
	s31 =	smul.u32 $0x19000, s5;
	s4 =	sor.u32 s6, s4  }
0x9: {  	_ =	strace $0x80000047;
	s10 =	sshrl.u32 s8, $0x1;
	s9 =	sadd.s32 s9, s28  }
0xa: {  	s7 =	sadd.s32 s29, s7;
	s4 =	smul.u32 $0x7, s4;
	s8 =	ssub.s32 s8, s10  }
0xb: {  	s30 =	sadd.s32 s11, s9;
	s7 =	sadd.s32 s31, s7;
	s9 =	simm.s32 $0x32  }
0xc: {  	s10 =	simm.s32 $0x2;
	s11 =	simm.s32 $0x3;
	s5 =	smax.u32 s8, $0x1  }
0xd: {  	s6 =	sadd.s32 $0x70, s30;
	s8 =	simm.s32 $0x1;
	s4 =	sadd.s32 s28, s4  }
.LBB2_1:
0xe: {  	[tilespmem:s2], [sflag:$0x1] =	stream.linear.gather [hbm4b:s4+s2], $0x380, $0x38;
	[tilespmem:$0xCF00] =	vst v63  }
0xf: {  	_ =	swait.ge [sflag:s8], $0x380  }
0x10: {  	s14 =	sand.u32 $0x1, s2;
	p0 =	por $0x1, $0x1;
	[sflag:s8] =	ssyncset.done $0x0  }
0x11: {  	s13 =	simm.s32 @!p0 $0x3;
	s15 =	smul.u32 $0x19000, s14;
	[sflag:s8] =	ssyncadd.s32 $0xFFFFFC80  }
0x12: {  	s16 =	smul.u32 $0xE00, s14;
	_ =	swait.ge @!p0 [sflag:s13], $0x6400  }
0x13: {  	s15 =	sshrl.u32 s15, $0x2;
	[sflag:s13] =	ssyncset.done @!p0 $0x0  }
0x14: {  	s16 =	sshrl.u32 s16, $0x2;
	[sflag:s13] =	ssyncadd.s32 @!p0 $0xFFFF9C00;
	s13 =	sadd.s32 $0x700, s15  }
0x15: {  	[tilespmem:s13], [sflag:$0x2] =	stream.indirect.gather [hbm4b:s3+s9], $0x20, s16, s9, $0xb8;
	[tilespmem:$0xCF00] =	vst v63  }
0x16: {  	s17 =	sadd.s32 $0xD40, s15;
	s18 =	sadd.s32 $0x38, s16  }
0x17: {  	[tilespmem:s17], [sflag:$0x2] =	stream.indirect.gather [hbm4b:s3+s9], $0x20, s18, s9, $0xb8;
	[tilespmem:$0xCF00] =	vst v63  }
0x18: {  	s30 =	sadd.s32 $0x1380, s15;
	s31 =	sadd.s32 $0x70, s16  }
0x19: {  	[tilespmem:s30], [sflag:$0x2] =	stream.indirect.gather [hbm4b:s3+s9], $0x20, s31, s9, $0xb8;
	[tilespmem:$0xCF00] =	vst v63  }
0x1a: {  	s19 =	sadd.s32 $0x19C0, s15;
	s20 =	sadd.s32 $0xA8, s16  }
0x1b: {  	[tilespmem:s19], [sflag:$0x2] =	stream.indirect.gather [hbm4b:s3+s9], $0x20, s20, s9, $0xb8;
	[tilespmem:$0xCF00] =	vst v63  }
0x1c: {  	s21 =	sadd.s32 $0x2000, s15;
	s22 =	sadd.s32 $0xE0, s16  }
0x1d: {  	[tilespmem:s21], [sflag:$0x2] =	stream.indirect.gather [hbm4b:s3+s9], $0x20, s22, s9, $0xb8;
	[tilespmem:$0xCF00] =	vst v63  }
0x1e: {  	s23 =	sadd.s32 $0x2640, s15;
	s24 =	sadd.s32 $0x118, s16  }
0x1f: {  	[tilespmem:s23], [sflag:$0x2] =	stream.indirect.gather [hbm4b:s3+s9], $0x20, s24, s9, $0xb8;
	[tilespmem:$0xCF00] =	vst v63  }
0x20: {  	s25 =	sadd.s32 $0x2C80, s15;
	s26 =	sadd.s32 $0x150, s16  }
0x21: {  	[tilespmem:s25], [sflag:$0x2] =	stream.indirect.gather [hbm4b:s3+s9], $0x20, s26, s9, $0xb8;
	[tilespmem:$0xCF00] =	vst v63  }
0x22: {  	s28 =	sadd.s32 $0x32C0, s15;
	s29 =	sadd.s32 $0x188, s16  }
0x23: {  	[tilespmem:s28], [sflag:$0x2] =	stream.indirect.gather [hbm4b:s3+s9], $0x20, s29, s9, $0xb8;
	[tilespmem:$0xCF00] =	vst v63  }
0x24: {  	s30 =	sadd.s32 $0x3900, s15;
	s31 =	sadd.s32 $0x1C0, s16  }
0x25: {  	[tilespmem:s30], [sflag:$0x2] =	stream.indirect.gather [hbm4b:s3+s9], $0x20, s31, s9, $0xb8;
	[tilespmem:$0xCF00] =	vst v63  }
0x26: {  	s19 =	sadd.s32 $0x3F40, s15;
	s20 =	sadd.s32 $0x1F8, s16  }
0x27: {  	[tilespmem:s19], [sflag:$0x2] =	stream.indirect.gather [hbm4b:s3+s9], $0x20, s20, s9, $0xb8;
	[tilespmem:$0xCF00] =	vst v63  }
0x28: {  	s21 =	sadd.s32 $0x4580, s15;
	s22 =	sadd.s32 $0x230, s16  }
0x29: {  	[tilespmem:s21], [sflag:$0x2] =	stream.indirect.gather [hbm4b:s3+s9], $0x20, s22, s9, $0xb8;
	[tilespmem:$0xCF00] =	vst v63  }
0x2a: {  	s23 =	sadd.s32 $0x4BC0, s15;
	s24 =	sadd.s32 $0x268, s16  }
0x2b: {  	[tilespmem:s23], [sflag:$0x2] =	stream.indirect.gather [hbm4b:s3+s9], $0x20, s24, s9, $0xb8;
	[tilespmem:$0xCF00] =	vst v63  }
0x2c: {  	s25 =	sadd.s32 $0x5200, s15;
	s26 =	sadd.s32 $0x2A0, s16  }
0x2d: {  	[tilespmem:s25], [sflag:$0x2] =	stream.indirect.gather [hbm4b:s3+s9], $0x20, s26, s9, $0xb8;
	[tilespmem:$0xCF00] =	vst v63  }
0x2e: {  	p0 =	por $0x0, $0x0;
	s28 =	sadd.s32 $0x5840, s15;
	s29 =	sadd.s32 $0x2D8, s16  }
0x2f: {  	[tilespmem:s28], [sflag:$0x2] =	stream.indirect.gather [hbm4b:s3+s9], $0x20, s29, s9, $0xb8;
	[tilespmem:$0xCF00] =	vst v63  }
0x30: {  	s14 =	sxor.u32 @!p0 $0x1, s14;
	s30 =	sadd.s32 $0x5E80, s15;
	s31 =	sadd.s32 $0x310, s16  }
0x31: {  	[tilespmem:s30], [sflag:$0x2] =	stream.indirect.gather [hbm4b:s3+s9], $0x20, s31, s9, $0xb8;
	[tilespmem:$0xCF00] =	vst v63  }
0x32: {  	s14 =	smul.u32 @!p0 $0xE00, s14;
	s15 =	sadd.s32 $0x64C0, s15;
	s16 =	sadd.s32 $0x348, s16  }
0x33: {  	[tilespmem:s15], [sflag:$0x2] =	stream.indirect.gather [hbm4b:s3+s9], $0x20, s16, s9, $0xb8;
	[tilespmem:$0xCF00] =	vst v63  }
0x34: {  	s14 =	sshrl.u32 @!p0 s14, $0x2;
	s15 =	simm.s32 @!p0 $0x0  }
0x35: {  	[tilespmem:s14], [sflag:$0x1] =	stream.linear.gather @!p0 [hbm4b:s6+s15], $0x380, $0x38;
	[tilespmem:$0xCF00] =	vst v63  }
0x36: {  	_ =	swait.ge [sflag:s10], $0x640  }
0x37: {  	[sflag:s10] =	ssyncset.done $0x0  }
0x38: {  	[sflag:s10] =	ssyncadd.s32 $0xFFFFF9C0  }
0x39: {  	_ =	swait.ge [sflag:s10], $0x640  }
0x3a: {  	[sflag:s10] =	ssyncset.done $0x0  }
0x3b: {  	[sflag:s10] =	ssyncadd.s32 $0xFFFFF9C0  }
0x3c: {  	_ =	swait.ge [sflag:s10], $0x640  }
0x3d: {  	[sflag:s10] =	ssyncset.done $0x0  }
0x3e: {  	[sflag:s10] =	ssyncadd.s32 $0xFFFFF9C0  }
0x3f: {  	_ =	swait.ge [sflag:s10], $0x640  }
0x40: {  	[sflag:s10] =	ssyncset.done $0x0  }
0x41: {  	[sflag:s10] =	ssyncadd.s32 $0xFFFFF9C0  }
0x42: {  	_ =	swait.ge [sflag:s10], $0x640  }
0x43: {  	[sflag:s10] =	ssyncset.done $0x0  }
0x44: {  	[sflag:s10] =	ssyncadd.s32 $0xFFFFF9C0  }
0x45: {  	_ =	swait.ge [sflag:s10], $0x640  }
0x46: {  	[sflag:s10] =	ssyncset.done $0x0  }
0x47: {  	[sflag:s10] =	ssyncadd.s32 $0xFFFFF9C0  }
0x48: {  	_ =	swait.ge [sflag:s10], $0x640  }
0x49: {  	[sflag:s10] =	ssyncset.done $0x0  }
0x4a: {  	[sflag:s10] =	ssyncadd.s32 $0xFFFFF9C0  }
0x4b: {  	_ =	swait.ge [sflag:s10], $0x640  }
0x4c: {  	[sflag:s10] =	ssyncset.done $0x0  }
0x4d: {  	[sflag:s10] =	ssyncadd.s32 $0xFFFFF9C0  }
0x4e: {  	_ =	swait.ge [sflag:s10], $0x640  }
0x4f: {  	[sflag:s10] =	ssyncset.done $0x0  }
0x50: {  	[sflag:s10] =	ssyncadd.s32 $0xFFFFF9C0  }
0x51: {  	_ =	swait.ge [sflag:s10], $0x640  }
0x52: {  	[sflag:s10] =	ssyncset.done $0x0  }
0x53: {  	[sflag:s10] =	ssyncadd.s32 $0xFFFFF9C0  }
0x54: {  	_ =	swait.ge [sflag:s10], $0x640  }
0x55: {  	[sflag:s10] =	ssyncset.done $0x0  }
0x56: {  	[sflag:s10] =	ssyncadd.s32 $0xFFFFF9C0  }
0x57: {  	_ =	swait.ge [sflag:s10], $0x640  }
0x58: {  	[sflag:s10] =	ssyncset.done $0x0  }
0x59: {  	[sflag:s10] =	ssyncadd.s32 $0xFFFFF9C0  }
0x5a: {  	_ =	swait.ge [sflag:s10], $0x640  }
0x5b: {  	[sflag:s10] =	ssyncset.done $0x0  }
0x5c: {  	[sflag:s10] =	ssyncadd.s32 $0xFFFFF9C0  }
0x5d: {  	_ =	swait.ge [sflag:s10], $0x640  }
0x5e: {  	[sflag:s10] =	ssyncset.done $0x0  }
0x5f: {  	[sflag:s10] =	ssyncadd.s32 $0xFFFFF9C0  }
0x60: {  	_ =	swait.ge [sflag:s10], $0x640  }
0x61: {  	[sflag:s10] =	ssyncset.done $0x0  }
0x62: {  	[sflag:s10] =	ssyncadd.s32 $0xFFFFF9C0  }
0x63: {  	_ =	swait.ge [sflag:s10], $0x640  }
0x64: {  	s17 =	smov.u32 s7;
	s16 =	sadd.s32 $0xC80, s7;
	[sflag:s10] =	ssyncset.done $0x0  }
0x65: {  	s14 =	simm.s32 $0x1;
	s15 =	sadd.s32 $0x70, s6;
	[sflag:s10] =	ssyncadd.s32 $0xFFFFF9C0  }
.LBB2_2:
0x66: {  	[hbm4b:s17+s2] =	stream.linear.scatter [tilespmem:s13], [sflag:$0x3], $0x6400, $0x38;
	[tilespmem:$0xCF00] =	vst v63  }
0x67: {  	s13 =	smov.u32 s14;
	s17 =	smov.u32 s16  }
0x68: {  	s14 =	sadd.s32 $0x1, s14;
	_ =	swait.ge [sflag:s8], $0x380;
	p1 =	seq.s32 s13, $0x1F  }
0x69: {  	s18 =	sand.u32 $0x1, s13;
	p0 =	slt.u32 s13, $0x2;
	[sflag:s8] =	ssyncset.done $0x0  }
0x6a: {  	s13 =	simm.s32 @!p0 $0x3;
	s19 =	smul.u32 $0x19000, s18;
	[sflag:s8] =	ssyncadd.s32 $0xFFFFFC80  }
0x6b: {  	s20 =	smul.u32 $0xE00, s18;
	s18 =	sxor.u32 @!p1 $0x1, s18;
	_ =	swait.ge @!p0 [sflag:s13], $0x6400  }
0x6c: {  	s18 =	smul.u32 @!p1 $0xE00, s18;
	s19 =	sshrl.u32 s19, $0x2;
	[sflag:s13] =	ssyncset.done @!p0 $0x0  }
0x6d: {  	s20 =	sshrl.u32 s20, $0x2;
	[sflag:s13] =	ssyncadd.s32 @!p0 $0xFFFF9C00;
	s13 =	sadd.s32 $0x700, s19  }
0x6e: {  	[tilespmem:s13], [sflag:$0x2] =	stream.indirect.gather [hbm4b:s3+s9], $0x20, s20, s9, $0xb8;
	[tilespmem:$0xCF00] =	vst v63  }
0x6f: {  	s21 =	sadd.s32 $0xD40, s19;
	s22 =	sadd.s32 $0x38, s20;
	p0 =	sne.s32 s14, $0x20  }
0x70: {  	[tilespmem:s21], [sflag:$0x2] =	stream.indirect.gather [hbm4b:s3+s9], $0x20, s22, s9, $0xb8;
	[tilespmem:$0xCF00] =	vst v63  }
0x71: {  	s21 =	sadd.s32 $0x1380, s19;
	s22 =	sadd.s32 $0x70, s20  }
0x72: {  	[tilespmem:s21], [sflag:$0x2] =	stream.indirect.gather [hbm4b:s3+s9], $0x20, s22, s9, $0xb8;
	[tilespmem:$0xCF00] =	vst v63  }
0x73: {  	s21 =	sadd.s32 $0x19C0, s19;
	s22 =	sadd.s32 $0xA8, s20  }
0x74: {  	[tilespmem:s21], [sflag:$0x2] =	stream.indirect.gather [hbm4b:s3+s9], $0x20, s22, s9, $0xb8;
	[tilespmem:$0xCF00] =	vst v63  }
0x75: {  	s21 =	sadd.s32 $0x2000, s19;
	s22 =	sadd.s32 $0xE0, s20  }
0x76: {  	[tilespmem:s21], [sflag:$0x2] =	stream.indirect.gather [hbm4b:s3+s9], $0x20, s22, s9, $0xb8;
	[tilespmem:$0xCF00] =	vst v63  }
0x77: {  	s21 =	sadd.s32 $0x2640, s19;
	s22 =	sadd.s32 $0x118, s20  }
0x78: {  	[tilespmem:s21], [sflag:$0x2] =	stream.indirect.gather [hbm4b:s3+s9], $0x20, s22, s9, $0xb8;
	[tilespmem:$0xCF00] =	vst v63  }
0x79: {  	s21 =	sadd.s32 $0x2C80, s19;
	s22 =	sadd.s32 $0x150, s20  }
0x7a: {  	[tilespmem:s21], [sflag:$0x2] =	stream.indirect.gather [hbm4b:s3+s9], $0x20, s22, s9, $0xb8;
	[tilespmem:$0xCF00] =	vst v63  }
0x7b: {  	s21 =	sadd.s32 $0x32C0, s19;
	s22 =	sadd.s32 $0x188, s20  }
0x7c: {  	[tilespmem:s21], [sflag:$0x2] =	stream.indirect.gather [hbm4b:s3+s9], $0x20, s22, s9, $0xb8;
	[tilespmem:$0xCF00] =	vst v63  }
0x7d: {  	s21 =	sadd.s32 $0x3900, s19;
	s22 =	sadd.s32 $0x1C0, s20  }
0x7e: {  	[tilespmem:s21], [sflag:$0x2] =	stream.indirect.gather [hbm4b:s3+s9], $0x20, s22, s9, $0xb8;
	[tilespmem:$0xCF00] =	vst v63  }
0x7f: {  	s21 =	sadd.s32 $0x3F40, s19;
	s22 =	sadd.s32 $0x1F8, s20  }
0x80: {  	[tilespmem:s21], [sflag:$0x2] =	stream.indirect.gather [hbm4b:s3+s9], $0x20, s22, s9, $0xb8;
	[tilespmem:$0xCF00] =	vst v63  }
0x81: {  	s21 =	sadd.s32 $0x4580, s19;
	s22 =	sadd.s32 $0x230, s20  }
0x82: {  	[tilespmem:s21], [sflag:$0x2] =	stream.indirect.gather [hbm4b:s3+s9], $0x20, s22, s9, $0xb8;
	[tilespmem:$0xCF00] =	vst v63  }
0x83: {  	s21 =	sadd.s32 $0x4BC0, s19;
	s22 =	sadd.s32 $0x268, s20  }
0x84: {  	[tilespmem:s21], [sflag:$0x2] =	stream.indirect.gather [hbm4b:s3+s9], $0x20, s22, s9, $0xb8;
	[tilespmem:$0xCF00] =	vst v63  }
0x85: {  	s21 =	sadd.s32 $0x5200, s19;
	s22 =	sadd.s32 $0x2A0, s20  }
0x86: {  	[tilespmem:s21], [sflag:$0x2] =	stream.indirect.gather [hbm4b:s3+s9], $0x20, s22, s9, $0xb8;
	[tilespmem:$0xCF00] =	vst v63  }
0x87: {  	s21 =	sadd.s32 $0x5840, s19;
	s22 =	sadd.s32 $0x2D8, s20  }
0x88: {  	[tilespmem:s21], [sflag:$0x2] =	stream.indirect.gather [hbm4b:s3+s9], $0x20, s22, s9, $0xb8;
	[tilespmem:$0xCF00] =	vst v63  }
0x89: {  	s21 =	sadd.s32 $0x5E80, s19;
	s22 =	sadd.s32 $0x310, s20  }
0x8a: {  	[tilespmem:s21], [sflag:$0x2] =	stream.indirect.gather [hbm4b:s3+s9], $0x20, s22, s9, $0xb8;
	[tilespmem:$0xCF00] =	vst v63  }
0x8b: {  	s19 =	sadd.s32 $0x64C0, s19;
	s20 =	sadd.s32 $0x348, s20  }
0x8c: {  	[tilespmem:s19], [sflag:$0x2] =	stream.indirect.gather [hbm4b:s3+s9], $0x20, s20, s9, $0xb8;
	[tilespmem:$0xCF00] =	vst v63  }
0x8d: {  	s18 =	sshrl.u32 @!p1 s18, $0x2;
	s19 =	simm.s32 @!p1 $0x0  }
0x8e: {  	[tilespmem:s18], [sflag:$0x1] =	stream.linear.gather @!p1 [hbm4b:s15+s19], $0x380, $0x38;
	[tilespmem:$0xCF00] =	vst v63  }
0x8f: {  	_ =	swait.ge [sflag:s10], $0x640  }
0x90: {  	[sflag:s10] =	ssyncset.done $0x0  }
0x91: {  	[sflag:s10] =	ssyncadd.s32 $0xFFFFF9C0  }
0x92: {  	_ =	swait.ge [sflag:s10], $0x640  }
0x93: {  	[sflag:s10] =	ssyncset.done $0x0  }
0x94: {  	[sflag:s10] =	ssyncadd.s32 $0xFFFFF9C0  }
0x95: {  	_ =	swait.ge [sflag:s10], $0x640  }
0x96: {  	[sflag:s10] =	ssyncset.done $0x0  }
0x97: {  	[sflag:s10] =	ssyncadd.s32 $0xFFFFF9C0  }
0x98: {  	_ =	swait.ge [sflag:s10], $0x640  }
0x99: {  	[sflag:s10] =	ssyncset.done $0x0  }
0x9a: {  	[sflag:s10] =	ssyncadd.s32 $0xFFFFF9C0  }
0x9b: {  	_ =	swait.ge [sflag:s10], $0x640  }
0x9c: {  	[sflag:s10] =	ssyncset.done $0x0  }
0x9d: {  	[sflag:s10] =	ssyncadd.s32 $0xFFFFF9C0  }
0x9e: {  	_ =	swait.ge [sflag:s10], $0x640  }
0x9f: {  	[sflag:s10] =	ssyncset.done $0x0  }
0xa0: {  	[sflag:s10] =	ssyncadd.s32 $0xFFFFF9C0  }
0xa1: {  	_ =	swait.ge [sflag:s10], $0x640  }
0xa2: {  	[sflag:s10] =	ssyncset.done $0x0  }
0xa3: {  	[sflag:s10] =	ssyncadd.s32 $0xFFFFF9C0  }
0xa4: {  	_ =	swait.ge [sflag:s10], $0x640  }
0xa5: {  	[sflag:s10] =	ssyncset.done $0x0  }
0xa6: {  	[sflag:s10] =	ssyncadd.s32 $0xFFFFF9C0  }
0xa7: {  	_ =	swait.ge [sflag:s10], $0x640  }
0xa8: {  	[sflag:s10] =	ssyncset.done $0x0  }
0xa9: {  	[sflag:s10] =	ssyncadd.s32 $0xFFFFF9C0  }
0xaa: {  	_ =	swait.ge [sflag:s10], $0x640  }
0xab: {  	[sflag:s10] =	ssyncset.done $0x0  }
0xac: {  	[sflag:s10] =	ssyncadd.s32 $0xFFFFF9C0  }
0xad: {  	_ =	swait.ge [sflag:s10], $0x640  }
0xae: {  	[sflag:s10] =	ssyncset.done $0x0  }
0xaf: {  	[sflag:s10] =	ssyncadd.s32 $0xFFFFF9C0  }
0xb0: {  	_ =	swait.ge [sflag:s10], $0x640  }
0xb1: {  	[sflag:s10] =	ssyncset.done $0x0  }
0xb2: {  	[sflag:s10] =	ssyncadd.s32 $0xFFFFF9C0  }
0xb3: {  	_ =	swait.ge [sflag:s10], $0x640  }
0xb4: {  	[sflag:s10] =	ssyncset.done $0x0  }
0xb5: {  	[sflag:s10] =	ssyncadd.s32 $0xFFFFF9C0  }
0xb6: {  	_ =	swait.ge [sflag:s10], $0x640  }
0xb7: {  	[sflag:s10] =	ssyncset.done $0x0  }
0xb8: {  	[sflag:s10] =	ssyncadd.s32 $0xFFFFF9C0  }
0xb9: {  	_ =	swait.ge [sflag:s10], $0x640  }
.Ltmp0:
0xba: {  	[sflag:s10] =	ssyncset.done $0x0;
	(pc) =	sbr.rel @p0 .LBB2_2-.Ltmp0, $4  }
0xbb: {  	[sflag:s10] =	ssyncadd.s32 $0xFFFFF9C0  }
0xbc: {  	_ =	swait.ge [sflag:s10], $0x640  }
0xbd: {  	[sflag:s10] =	ssyncset.done $0x0  }
0xbe: {  	s16 =	sadd.s32 $0xC80, s16;
	s15 =	sadd.s32 $0x70, s15;
	[sflag:s10] =	ssyncadd.s32 $0xFFFFF9C0  }
0xbf: {  	[hbm4b:s17+s2] =	stream.linear.scatter [tilespmem:s13], [sflag:$0x3], $0x6400, $0x38;
	[tilespmem:$0xCF00] =	vst v63  }
0xc0: {  	s12 =	sadd.s32 $0x1, s12  }
0xc1: {  	_ =	swait.ge [sflag:s11], $0x6400;
	p0 =	sne.s32 s12, s5  }
.Ltmp1:
0xc2: {  	[sflag:s11] =	ssyncset.done $0x0;
	(pc) =	sbr.rel @p0 .LBB2_1-.Ltmp1, $4  }
0xc3: {  	[sflag:s11] =	ssyncadd.s32 $0xFFFF9C00  }
0xc4: {  	_ =	swait.ge [sflag:s11], $0x6400  }
0xc5: {  	[sflag:s11] =	ssyncset.done $0x0  }
0xc6: {  	[sflag:s11] =	ssyncadd.s32 $0xFFFF9C00  }
0xc7: {  	_ =	sfence.sel $0x180000  }
0xc8: {  	[bflag:$0x0] =	sbarrier.arrive $0xFFFF  }
0xc9: {  	p0 =	sne.s32 s1, $0x0;
	_ =	strace $0x90000047  }
0xca: {  	s0 =	sadd.s32 @!p0 $0x100000, s0;
	[bflag:$0x2] =	sbarrier.arrive $0xFFFF  }
0xcb: {  	[sflag:s0] =	ssyncadd.tile.s32 @!p0 $0x1;
	_ =	shalt  }
.Lfunc_end2:
_tile_overlayer_lowered:
.L_overlay_start_2:
0xcc: {  	(tag) =	ssettag $0x2  }
0xcd: {  	s0 =	rddreg [dreg:$0x0];
	s2 =	stileid.u32  }
0xce: {  	s1 =	rddreg [dreg:$0x1];
	p0 =	sne.s32 s2, $0x0  }
0xcf: {  	s3 =	rddreg [dreg:$0x2];
	[bflag:$0x3] =	sbarrier.arrive $0xFFFF;
	s2 =	simm.s32 @!p0 $0x1C04  }
0xd0: {  	[timem:s3], [sflag:s2] =	dma.local @!p0 [hbm:s0], s1  }
0xd1: {  	s0 =	simm.s32 @!p0 $0x4  }
0xd2: {  	_ =	swait.ge @!p0 [sflag:s0], s1  }
0xd3: {  	s1 =	ssub.s32 @!p0 $0x0, s1;
	[sflag:s0] =	ssyncset.done @!p0 $0x0  }
0xd4: {  	[sflag:s0] =	ssyncadd.s32 @!p0 s1  }
0xd5: {  	[bflag:$0x3] =	sbarrier.arrive $0xFFFF  }
0xd6: {  	_ =	shalt  }

// kernel: sparse-core-data-format-call.cloned.1.call-start
scs
called_computation_lowered:
.L_overlay_start_0:
0x0: {  	s2 =	sld [smem:$0x3FD9]  }
0x1: {  	s3 =	sld [smem:$0x3FFE];
	_ =	sdelay $0x1  }
0x2: {  	s1 =	srdreg.scid  }
0x3: {  	s0 =	sand.u32 $0x1, s1  }
0x4: {  	s18 =	sshll.u32 s0, $0xA;
	s2 =	sadd.s32 s3, s2  }
0x5: {  	s2 =	sadd.s32 s2, s18  }
0x6: {  	[smem:$0x3FC6] =	sst s2  }
0x7: {  	_ = 	snop  }
0x8: {  	s2 =	sld [smem:$0x3FD0];
	(tm) =	ssettm $0x1  }
0x9: {  	s19 =	sld [smem:$0x3FFB];
	_ =	sdelay $0x3  }
0xa: {  	_ =	strace s19  }
0xb: {  	s3 =	sld [smem:$0x3FFC];
	_ =	sdelay $0x3  }
0xc: {  	_ =	strace s3  }
0xd: {  	s3 =	sld [smem:$0x3FFD];
	_ =	sdelay $0x3  }
0xe: {  	_ =	strace s3  }
0xf: {  	_ =	strace $0x8FFFFFFF  }
0x10: {  	s20 =	sld [smem:$0x3FDB];
	_ =	sdelay $0x1  }
0x11: {  	s4 =	simm.s32 $_scs_section_size  }
0x12: {  	s5 =	simm.s32 $_size__tile_overlayer_lowered;
	s6 =	simm.s32 $_tile_overlayer_lowered  }
0x13: {  	s23 =	simm.s32 $0x1BFF;
	s22 =	sshll.u32 s6, $0x1;
	s3 =	sadd.s32 s4, s20  }
0x14: {  	s7 =	simm.s32 $0x0;
	s21 =	sshll.u32 s5, $0x1;
	s5 =	sadd.s32 s22, s3  }
0x15: {  	[timem:s7], [sflag:s23] =	dma.local [hbm:s5], s21  }
0x16: {  	_ =	swait.ge [sflag:s23], s21  }
0x17: {  	s4 =	ssub.s32 $0x0, s21;
	[sflag:s23] =	ssyncset.done $0x0  }
0x18: {  	[sflag:s23] =	ssyncadd.s32 s4;
	_ =	sdelay $0x1  }
0x19: {  	s24 =	simm.s32 $0x1B8B  }
0x1a: {  	_ =	swait.ge [sflag:s24], $0x1  }
0x1b: {  	[sflag:s24] =	ssyncset.done $0x0  }
0x1c: {  	s26 =	simm.s32 $0x1B8E;
	s25 =	sld [smem:$0x3FFE];
	[sflag:s24] =	ssyncadd.s32 $0xFFFFFFFF  }
0x1d: {  	s27 =	simm.s32 $execute0_lowered;
	[smem:$0x3FD2] =	sst s26  }
0x1e: {  	s5 =	sshll.u32 s27, $0x1;
	_ =	strace $0x80000049;
	[dreg:$0x1] =	wrdreg $0xFFFFFFFF  }
0x1f: {  	s28 =	simm.s32 $_size_execute0_lowered;
	s3 =	sadd.s32 s3, s5;
	[dreg:$0x0] =	wrdreg $0x0  }
0x20: {  	s5 =	sshll.u32 s28, $0x1;
	[dreg:$0x2] =	wrdreg s3  }
0x21: {  	[dreg:$0x3] =	wrdreg s5  }
0x22: {  	[dreg:$0x4] =	wrdreg $0xC0  }
0x23: {  	_ =	task [dreg:s7], $0x5FFFF  }
0x24: {  	[dreg:$0x1] =	wrdreg $0xFFFFFFFF  }
0x25: {  	[dreg:$0x0] =	wrdreg $0x60  }
0x26: {  	[dreg:$0x2] =	wrdreg s25  }
0x27: {  	[dreg:$0x3] =	wrdreg s2  }
0x28: {  	[dreg:$0x4] =	wrdreg $0x9  }
0x29: {  	_ =	task.clear_ibuf [dreg:s7], $0x5FFFF;
	_ =	strace $0x90000049  }
0x2a: {  	s29 =	simm.s32 $0x9;
	_ =	strace $0x8000004B  }
0x2b: {  	_ =	swait.ge [sflag:s29], $0x1  }
0x2c: {  	[sflag:s29] =	ssyncadd.s32 $0xFFFFFFFF  }
0x2d: {  	_ =	strace $0x9000004B  }
0x2e: {  	_ =	sfence  }
0x2f: {  	s30 =	sld [smem:$0x0];
	_ =	sdelay $0x2  }
0x30: {  	s31 =	sshll.u32 s1, $0xD;
	s1 =	sshrl.u32 s1, $0x2  }
0x31: {  	s3 =	sand.u32 $0x4000, s31;
	s1 =	sadd.s32 s1, s30  }
0x32: {  	s0 =	sor.u32 s3, s0;
	s1 =	sshll.u32 s1, $0x11  }
0x33: {  	s0 =	sor.u32 s1, s0  }
0x34: {  	s0 =	sadd.s32 $0x8F2B, s0  }
0x35: {  	[sflag:s0] =	ssyncadd.remote.s32 $0x1  }
0x36: {  	_ =	sfence.sel $0xFFFF  }
0x37: {  	[dreg:$0x0] =	wrdreg $0xFFFFFFFF;
	(pc) =	sbr.abs _section_cstart, $3  }
0x38: {  	[dreg:$0x1] =	wrdreg $0xFFFFFFFF  }
0x39: {  	_ =	task.clear_ibuf [dreg:s7], $0x2FFFF;
	_ =	strace $0x9FFFFFFF  }
0x3a: {  	(tm) =	ssettm $0x7FFFFFFF  }
0x3b: {  	_ =	shalt  }
tec
execute0_lowered:
.L_overlay_start_1:
0x0: {  	(tag) =	ssettag $0x1  }
0x1: {  	s0 =	srdreg.scid  }
0x2: {  	s1 =	sshll.u32 s0, $0x4  }
0x3: {  	s0 =	stileid.u32;
	s1 =	sand.u32 $0x10, s1  }
0x4: {  	s1 =	sor.u32 s0, s1  }
0x5: {  	s6 =	rddreg [dreg:$0x0];
	s4 =	simm.s32 $0x1;
	s2 =	sshll.u32 s1, $0x7  }
0x6: {  	s7 =	simm.s32 $0x2;
	s12 =	simm.s32 $0x0;
	s1 =	ssub.s32 $0x4000, s2  }
0x7: {  	s8 =	simm.s32 $0x20000;
	s13 =	simm.s32 $0x0;
	s3 =	sand.u32 $0xF80, s1  }
0x8: {  	s9 =	simm.s32 $0x0;
	s5 =	sshrl.u32 s1, $0xC;
	p0 =	sne.s32 s3, $0x0  }
.Ltmp0:
0x9: {  	s1 =	rddreg [dreg:$0x2];
	s4 =	simm.s32 @!p0 $0x0;
	(pc) =	sbr.rel .LBB1_1-.Ltmp0, $4  }
0xa: {  	s11 =	simm.s32 $0x0;
	s3 =	rddreg [dreg:$0x1];
	s5 =	sadd.s32 s4, s5  }
0xb: {  	_ =	strace $0x8000004A;
	s4 =	simm.s32 $0x1;
	s5 =	smul.u32 $0x32, s5  }
0xc: {  	s6 =	sadd.s32 $0xA00, s6;
	s10 =	smov.u32 s2;
	[sflag:s4] =	ssyncpa.u1 $0x0  }
0xd: {  	p0 =	por $0x0, $0x0;
	[sflag:s7] =	ssyncpa.u1 $0x0;
	s7 =	sor.u32 $0x1, s5  }
.LBB1_4:
0xe: {  	s16 =	sshll.u32 s13, $0x3;
	s17 =	sand.u32 $0x78, s13  }
0xf: {  	s30 =	sand.u32 $0xF800, s13;
	s12 =	sshll.u32 s12, $0x10;
	s16 =	sand.u32 $0x3C00, s16  }
0x10: {  	s31 =	sand.u32 $0x7, s13;
	s16 =	sor.u32 s17, s16;
	s17 =	sadd.s32 s3, s30  }
0x11: {  	s13 =	sshll.u32 s31, $0x12;
	s16 =	sshrl.u32 s16, $0x3;
	s12 =	sadd.s32 s12, s17  }
0x12: {  	[tilespmem:s15+$0x0 ss:$0x81] =	vst.msk $0xffff, v0;
	s13 =	sor.u32 $0x400, s13;
	s12 =	sadd.s32 s16, s12  }
0x13: {  	[hbm4b:s12+s13] =	stream.strided.scatter [tilespmem:s14], [sflag:$0x2], $0x1000, s8, s13, $0x20;
	[tilespmem:$0x4040] =	vst v63  }
.LBB1_5:
0x14: {  	s14 =	sadd.s32 $0x1, s9  }
0x15: {  	s12 =	sadd.s32 $0x1000, s10;
	s16 =	smov.u32 s10;
	p2 =	sgt.s32 s14, $0x31  }
0x16: {  	s16 =	smov.u32 @p2 s12  }
0x17: {  	s14 =	simm.s32 @p2 $0x0;
	p2 =	sgt.s32 s16, $0x3FFF  }
0x18: {  	s16 =	smov.u32 @p2 s2;
	p2 =	sne.s32 s11, s7  }
.Ltmp1:
0x19: {  	p1 =	slt.u32 s11, $0x2;
	(pc) =	sbr.rel @!p2 .LBB1_6-.Ltmp1, $4  }
0x1a: {  	s15 =	simm.s32 @!p1 $0x2  }
0x1b: {  	s13 =	smov.u32 s10;
	p0 =	por !p0, !p0;
	_ =	swait.ge @!p1 [sflag:s15], $0x1000  }
0x1c: {  	s12 =	smov.u32 s9;
	[sflag:s15] =	ssyncset.done @!p1 $0x0;
	s9 =	smov.u32 s14  }
0x1d: {  	s11 =	sadd.s32 $0x1, s11;
	[sflag:s15] =	ssyncadd.s32 @!p1 $0xFFFFF000;
	s10 =	smov.u32 s16  }
.LBB1_1:
0x1e: {  	p1 =	sge.u32 s11, s5  }
0x1f: {  	s14 =	sand.u32 @!p1 $0x1FFFFFF, s9  }
0x20: {  	s15 =	smulhi.u32 @!p1 $0x4924925, s14;
	_ =	sdelay $0x1  }
0x21: {  	s15 =	smul.u32 @!p1 $0x38, s15  }
0x22: {  	s16 =	sxor.u32 @!p1 $0xFFFFFFFF, s11;
	s17 =	smul.u32 @!p1 $0x380, s10  }
0x23: {  	s31 =	sadd.s32 $0xFFFFFFFF, s11;
	s16 =	sshll.u32 @!p1 s16, $0xC;
	s14 =	ssub.s32 @!p1 s14, s15  }
0x24: {  	s15 =	sand.u32 @!p1 $0x1000, s16;
	s16 =	sadd.s32 @!p1 s6, s17;
	s14 =	sshll.u32 @!p1 s14, $0x4  }
0x25: {  	s17 =	simm.s32 @!p1 $0x1C00;
	s14 =	sadd.s32 @!p1 s14, s16;
	s16 =	simm.s32 @!p1 $0x20  }
0x26: {  	[tilespmem:s15], [sflag:$0x1] =	stream.strided.gather @!p1 [hbm4b:s14+s16], $0x1000, s17, s16, $0x38;
	[tilespmem:$0x4040] =	vst v63  }
0x27: {  	p1 =	sge.u32 s31, s5  }
.Ltmp2:
0x28: {  	_ = 	snop;
	(pc) =	sbr.rel @p1 .LBB1_5-.Ltmp2, $1  }
0x29: {  	_ =	sdelay $0x3  }
0x2a: {  	s14 =	simm.s32 $0x1  }
0x2b: {  	_ =	swait.ge [sflag:s4], $0x1000;
	s14 =	simm.s32 @!p0 $0x0  }
0x2c: {  	[sflag:s4] =	ssyncset.done $0x0;
	s15 =	sshll.u32 s14, $0xC  }
0x2d: {  	[sflag:s4] =	ssyncadd.s32 $0xFFFFF000;
	s18 =	sor.u32 $0x10, s15  }
0x2e: {  	s14 =	smul.u32 $0x4080, s14;
	v1 =	vld [tilespmem:s18+$0x0]  }
0x2f: {  	s30 =	sand.u32 $0x1, s11;
	v0 =	vld [tilespmem:s18+$0xFFFFFFF0]  }
0x30: {  	s15 =	smul.u32 $0x4080, s30;
	s14 =	sshrl.u32 s14, $0x2  }
0x31: {  	s16 =	sor.u32 $0x2000, s14  }
0x32: {  	s31 =	sshrl.u32 s15, $0x2;
	s15 =	sadd.s32 $0x0, s16  }
0x33: {  	s17 =	simm.s32 $0x4;
	s18 =	sadd.s32 $0x20, s18;
	s14 =	sor.u32 $0x2000, s31;
	[tilespmem:s15+$0x810 ss:$0x81] =	vst.msk $0xffff, v1  }
.LBB1_3:
0x34: {  	v1 =	vld [tilespmem:s18+$0x0];
	p1 =	sne.s32 s17, $0x1FC;
	[tilespmem:s15+$0x0 ss:$0x81] =	vst.msk $0xffff, v0;
	s15 =	smov.u32 s17;
	s17 =	sadd.s32 $0x4, s17  }
.Ltmp3:
0x35: {  	v0 =	vld [tilespmem:s18+$0xFFFFFFF0];
	(pc) =	sbr.rel @p1 .LBB1_3-.Ltmp3, $4  }
0x36: {  	_ = 	snop  }
0x37: {  	s15 =	sshra.s32 s15, $0x2  }
0x38: {  	s15 =	sadd.s32 s15, s16  }
0x39: {  	s18 =	sadd.s32 $0x20, s18;
	[tilespmem:s15+$0x810 ss:$0x81] =	vst.msk $0xffff, v1  }
.Ltmp4:
0x3a: {  	_ = 	snop;
	(pc) =	sbr.rel .LBB1_4-.Ltmp4, $1  }
0x3b: {  	_ =	sdelay $0x3  }
.LBB1_6:
0x3c: {  	_ =	sfence.sel $0x180000  }
0x3d: {  	s2 =	simm.s32 $0x1;
	[bflag:$0x0] =	sbarrier.arrive $0xFFFF  }
0x3e: {  	s31 =	simm.s32 $0x2;
	[sflag:s2] =	ssyncpa.u1 $0x1  }
0x3f: {  	[sflag:s31] =	ssyncpa.u1 $0x1  }
0x40: {  	p0 =	sne.s32 s0, $0x0;
	_ =	strace $0x9000004A  }
0x41: {  	s0 =	sadd.s32 @!p0 $0x100000, s1;
	[bflag:$0x2] =	sbarrier.arrive $0xFFFF  }
0x42: {  	[sflag:s0] =	ssyncadd.tile.s32 @!p0 $0x1;
	_ =	shalt  }
.Lfunc_end1:
_tile_overlayer_lowered:
.L_overlay_start_2:
0x43: {  	(tag) =	ssettag $0x2  }
0x44: {  	s0 =	rddreg [dreg:$0x0];
	s2 =	stileid.u32  }
0x45: {  	s1 =	rddreg [dreg:$0x1];
	p0 =	sne.s32 s2, $0x0  }
0x46: {  	s3 =	rddreg [dreg:$0x2];
	[bflag:$0x3] =	sbarrier.arrive $0xFFFF;
	s2 =	simm.s32 @!p0 $0x1C01  }
0x47: {  	[timem:s3], [sflag:s2] =	dma.local @!p0 [hbm:s0], s1  }
0x48: {  	s0 =	simm.s32 @!p0 $0x1  }
0x49: {  	_ =	swait.ge @!p0 [sflag:s0], s1  }
0x4a: {  	s1 =	ssub.s32 @!p0 $0x0, s1;
	[sflag:s0] =	ssyncset.done @!p0 $0x0  }
0x4b: {  	[sflag:s0] =	ssyncadd.s32 @!p0 s1  }
0x4c: {  	[bflag:$0x3] =	sbarrier.arrive $0xFFFF  }
0x4d: {  	_ =	shalt  }

</sc_bundles>
